<compile_context>
chip_gen: v7x
topology: tpu7x:2x2x1
jax: 0.10.2.dev20260603
libtpu: 0.0.44.dev20260713+nightly
codegen_flags: <defaults>
</compile_context>

<pallas_src>
import functools
import math

import jax
import jax.numpy as jnp
from jax import lax
from jax.experimental import pallas as pl
from jax.experimental.pallas import tpu as pltpu
from jax.experimental.pallas import tpu_sc as plsc

N = 10000
NP = 10240
H = 128
E = 320000
F = 512
NC = 2
NS = 16
NW = NC * NS
EB = 32
ET = 10240
NPH = 16
PH = ET // NPH
PB = PH // EB
PB2 = PB // 2
EP = ET * NW
PAD_NODE = N + 200
RT = NP // NS

@functools.cache
def _mesh():
    return plsc.VectorSubcoreMesh(core_axis_name="c", subcore_axis_name="s",
                                  num_cores=NC, num_subcores=NS)


_HIGH = lax.Precision.HIGHEST


def _dot(a, b):
    return jnp.dot(a, b, preferred_element_type=jnp.float32, precision=_HIGH)


def _ln_rows(x, s, b):
    mu = jnp.mean(x, axis=-1, keepdims=True)
    var = jnp.mean((x - mu) ** 2, axis=-1, keepdims=True)
    return (x - mu) * lax.rsqrt(var + 1e-5) * s + b


def _emb_body(emb_hbm, idx_hbm, out_hbm, idx_v, rows_v, sem):
    wid = lax.axis_index("s") * NC + lax.axis_index("c")
    base = wid * (NP // NW)
    for i in range((NP // NW) // EB):
        off = base + i * EB
        pltpu.sync_copy(idx_hbm.at[pl.ds(off, EB)], idx_v)
        pltpu.async_copy(emb_hbm.at[idx_v], rows_v, sem).wait()
        pltpu.sync_copy(rows_v, out_hbm.at[pl.ds(off, EB)])


@jax.jit
def _emb_call(emb, idxp):
    return pl.kernel(
        _emb_body,
        out_type=jax.ShapeDtypeStruct((NP, H), jnp.float32),
        mesh=_mesh(),
        scratch_types=[
            pltpu.VMEM((EB,), jnp.int32),
            pltpu.VMEM((EB, H), jnp.float32),
            pltpu.SemaphoreType.DMA,
        ],
    )(emb, idxp)


def _edge_body(q_hbm, k_hbm, v_hbm, src_hbm, dst_hbm, num_hbm, den_hbm,
               srca, dsta, q0, k0, v0, q1, k1, v1, exv,
               sbuf, pbuf, den, num_sh,
               sem_q0, sem_k0, sem_v0, sem_q1, sem_k1, sem_v1):
    cid = lax.axis_index("c")
    sid = lax.axis_index("s")
    wid = sid * NC + cid
    zero16 = jnp.zeros((16,), jnp.float32)
    inv = jnp.float32(1.0 / math.sqrt(H))

    for r in range(EB):
        for c in range(H // 16):
            exv[r, pl.ds(c * 16, 16)] = zero16
    for i in range(RT // EB):
        pltpu.sync_copy(exv, num_sh.at[pl.ds(sid * RT + i * EB, EB)])
    for i in range(NP // 16):
        den[pl.ds(i * 16, 16)] = zero16

    pltpu.sync_copy(src_hbm.at[pl.ds(wid * ET, PH)], srca)
    pltpu.sync_copy(dst_hbm.at[pl.ds(wid * ET, PH)], dsta)
    plsc.subcore_barrier()

    def start_gathers(off, qr, kr, vr, sq, sk, sv):
        pltpu.async_copy(q_hbm.at[dsta.at[pl.ds(off, EB)]], qr, sq)
        pltpu.async_copy(k_hbm.at[srca.at[pl.ds(off, EB)]], kr, sk)
        pltpu.async_copy(v_hbm.at[srca.at[pl.ds(off, EB)]], vr, sv)

    def wait_gathers(off, qr, kr, vr, sq, sk, sv):
        pltpu.make_async_copy(q_hbm.at[dsta.at[pl.ds(off, EB)]], qr, sq).wait()
        pltpu.make_async_copy(k_hbm.at[srca.at[pl.ds(off, EB)]], kr, sk).wait()
        pltpu.make_async_copy(v_hbm.at[srca.at[pl.ds(off, EB)]], vr, sv).wait()

    def compute_batch(off, qr, kr, vr):
        lanes = lax.iota(jnp.int32, 16)
        zl = lanes * 0
        for g in range(EB // 16):
            for jl in range(16):
                j = g * 16 + jl
                p = qr[j, pl.ds(0, 16)] * kr[j, pl.ds(0, 16)]
                for c in range(1, H // 16):
                    p = p + (qr[j, pl.ds(c * 16, 16)]
                             * kr[j, pl.ds(c * 16, 16)])
                pbuf[jl, pl.ds(0, 16)] = p
            sv = plsc.load_gather(pbuf, [lanes, zl])
            for c in range(1, 16):
                sv = sv + plsc.load_gather(pbuf, [lanes, zl + c])
            sbuf[pl.ds(g * 16, 16)] = jnp.exp(sv * inv)
        for g in range(EB // 16):
            ev = sbuf[pl.ds(g * 16, 16)]
            dv = dsta[pl.ds(off + g * 16, 16)]
            plsc.addupdate_scatter(den, [dv], ev)
            for jl in range(16):
                j = g * 16 + jl
                ex = ev[jl]
                for c in range(H // 16):
                    exv[j, pl.ds(c * 16, 16)] = vr[j, pl.ds(c * 16, 16)] * ex
        pltpu.sync_copy(exv, num_sh.at[dsta.at[pl.ds(off, EB)]], add=True)

    def iteration(i, carry):
        jp = lax.rem(i, PB2)
        l0 = jp * 2 * EB
        l1 = l0 + EB
        l2 = l0 + 2 * EB
        last = jp == PB2 - 1
        start_gathers(l1, q1, k1, v1, sem_q1, sem_k1, sem_v1)
        wait_gathers(l0, q0, k0, v0, sem_q0, sem_k0, sem_v0)
        compute_batch(l0, q0, k0, v0)

        @pl.when(jnp.logical_not(last))
        def _():
            start_gathers(l2, q0, k0, v0, sem_q0, sem_k0, sem_v0)

        wait_gathers(l1, q1, k1, v1, sem_q1, sem_k1, sem_v1)
        compute_batch(l1, q1, k1, v1)

        @pl.when(last)
        def _():
            p = lax.div(i, PB2)
            nxt = wid * ET + jnp.minimum(p + 1, NPH - 1) * PH
            pltpu.sync_copy(src_hbm.at[pl.ds(nxt, PH)], srca)
            pltpu.sync_copy(dst_hbm.at[pl.ds(nxt, PH)], dsta)
            start_gathers(0, q0, k0, v0, sem_q0, sem_k0, sem_v0)

        return carry

    start_gathers(0, q0, k0, v0, sem_q0, sem_k0, sem_v0)
    lax.fori_loop(0, NPH * PB2, iteration, 0)
    wait_gathers(0, q0, k0, v0, sem_q0, sem_k0, sem_v0)

    plsc.subcore_barrier()
    for i in range(RT // EB):
        off = sid * RT + i * EB
        pltpu.sync_copy(num_sh.at[pl.ds(off, EB)],
                        num_hbm.at[cid, pl.ds(off, EB)])
    pltpu.sync_copy(den, den_hbm.at[wid])


@jax.jit
def _edge_call(q, k, v, srcp, dstp):
    return pl.kernel(
        _edge_body,
        out_type=(jax.ShapeDtypeStruct((NC, NP, H), jnp.float32),
                  jax.ShapeDtypeStruct((NW, NP), jnp.float32)),
        mesh=_mesh(),
        compiler_params=pltpu.CompilerParams(needs_layout_passes=False),
        scratch_types=[
            pltpu.VMEM((PH,), jnp.int32),
            pltpu.VMEM((PH,), jnp.int32),
            pltpu.VMEM((EB, H), jnp.float32),
            pltpu.VMEM((EB, H), jnp.float32),
            pltpu.VMEM((EB, H), jnp.float32),
            pltpu.VMEM((EB, H), jnp.float32),
            pltpu.VMEM((EB, H), jnp.float32),
            pltpu.VMEM((EB, H), jnp.float32),
            pltpu.VMEM((EB, H), jnp.float32),
            pltpu.VMEM((EB,), jnp.float32),
            pltpu.VMEM((16, 16), jnp.float32),
            pltpu.VMEM((NP,), jnp.float32),
            pltpu.VMEM_SHARED((NP, H), jnp.float32),
            pltpu.SemaphoreType.DMA,
            pltpu.SemaphoreType.DMA,
            pltpu.SemaphoreType.DMA,
            pltpu.SemaphoreType.DMA,
            pltpu.SemaphoreType.DMA,
            pltpu.SemaphoreType.DMA,
        ],
    )(q, k, v, srcp, dstp)


BR = 1024


def _qkv_body(x_ref, wq, wk, wv, q_ref, k_ref, v_ref):
    x = x_ref[...]
    q_ref[...] = _dot(x, wq[...])
    k_ref[...] = _dot(x, wk[...])
    v_ref[...] = _dot(x, wv[...])


@jax.jit
def _qkv_call(x, wq, wk, wv):
    row = pl.BlockSpec((BR, H), lambda i: (i, 0))
    full = pl.BlockSpec((H, H), lambda i: (0, 0))
    out = jax.ShapeDtypeStruct((NP, H), jnp.float32)
    return pl.pallas_call(
        _qkv_body,
        grid=(NP // BR,),
        in_specs=[row, full, full, full],
        out_specs=[row, row, row],
        out_shape=[out, out, out],
    )(x, wq, wk, wv)


def _update_body(x_ref, num_ref, den_ref, w1, w2, s1, b1, s2, b2, out_ref):
    num = num_ref[0] + num_ref[1]
    den = jnp.sum(den_ref[...], axis=0)[:, None]
    agg = num / (den + 1e-9)
    h1 = _ln_rows(x_ref[...] + agg, s1[...], b1[...])
    f = jnp.maximum(_dot(h1, w1[...]), 0.0)
    out_ref[...] = _ln_rows(h1 + _dot(f, w2[...]), s2[...], b2[...])


@jax.jit
def _update_call(x, nump, denp, w1, w2, s1, b1, s2, b2):
    row = pl.BlockSpec((BR, H), lambda i: (i, 0))
    vec = pl.BlockSpec((1, H), lambda i: (0, 0))
    return pl.pallas_call(
        _update_body,
        grid=(NP // BR,),
        in_specs=[
            row,
            pl.BlockSpec((NC, BR, H), lambda i: (0, i, 0)),
            pl.BlockSpec((NW, BR), lambda i: (0, i)),
            pl.BlockSpec((H, F), lambda i: (0, 0)),
            pl.BlockSpec((F, H), lambda i: (0, 0)),
            vec, vec, vec, vec,
        ],
        out_specs=row,
        out_shape=jax.ShapeDtypeStruct((NP, H), jnp.float32),
    )(x, nump, denp, w1, w2, s1, b1, s2, b2)


def _readout_body(x0_ref, x_ref, wg, bgp, wt, btp, out_ref):
    x0 = x0_ref[...]
    x = x_ref[...]
    g = jax.nn.sigmoid(_dot(x0, wg[0]) + _dot(x, wg[1]) + bgp[...])
    out_ref[...] = g * (_dot(x, wt[...]) + btp[...])


@jax.jit
def _readout_call(x0, x, wgp, bgp, wtp, btp):
    row = pl.BlockSpec((BR, H), lambda i: (i, 0))
    vec = pl.BlockSpec((1, H), lambda i: (0, 0))
    return pl.pallas_call(
        _readout_body,
        grid=(NP // BR,),
        in_specs=[
            row, row,
            pl.BlockSpec((2, H, H), lambda i: (0, 0, 0)),
            vec,
            pl.BlockSpec((H, H), lambda i: (0, 0)),
            vec,
        ],
        out_specs=row,
        out_shape=jax.ShapeDtypeStruct((NP, H), jnp.float32),
    )(x0, x, wgp, bgp, wtp, btp)


def kernel(vocab_ids, labels, edge_index, emb, Wq, Wk, Wv, W1, W2,
           ln1_s, ln1_b, ln2_s, ln2_b, Wg, bg, Wt, bt):
    idxp = jnp.concatenate(
        [vocab_ids.astype(jnp.int32), jnp.zeros((NP - N,), jnp.int32)])
    pad = jnp.full((EP - E,), PAD_NODE, jnp.int32)
    srcp = jnp.concatenate([edge_index[0].astype(jnp.int32), pad])
    dstp = jnp.concatenate([edge_index[1].astype(jnp.int32), pad])

    x0 = _emb_call(emb, idxp)
    x = x0
    for l in range(2):
        q, k, v = _qkv_call(x, Wq[l], Wk[l], Wv[l])
        nump, denp = _edge_call(q, k, v, srcp, dstp)
        x = _update_call(x, nump, denp, W1[l], W2[l],
                         ln1_s[l].reshape(1, H), ln1_b[l].reshape(1, H),
                         ln2_s[l].reshape(1, H), ln2_b[l].reshape(1, H))

    wgp = jnp.pad(Wg, ((0, 0), (0, H - Wg.shape[1]))).reshape(2, H, H)
    bgp = jnp.pad(bg, (0, H - bg.shape[0])).reshape(1, H)
    wtp = jnp.pad(Wt, ((0, 0), (0, H - Wt.shape[1])))
    btp = jnp.pad(bt, (0, H - bt.shape[0])).reshape(1, H)
    logits_p = _readout_call(x0, x, wgp, bgp, wtp, btp)
    return logits_p[:N, :Wt.shape[1]]

# --- scband reference (transcript-rebuilt; emitter-appended) ---
"""Pipeline reference for scband-graph-transformer-model-26938034880869 (READ-ONLY COPY).

The authoritative reference and input builder live on the scoring server;
editing this copy changes nothing except your own understanding.
"""

import jax, jax.numpy as jnp
import numpy as np

N = 10000
E = 320000
H = 128
V = 50000
C = 2
L = 2
F = 512

def _ln(x, s, b):
    mu = x.mean(-1, keepdims=True)
    var = ((x - mu) ** 2).mean(-1, keepdims=True)
    return (x - mu) / jnp.sqrt(var + 1e-5) * s + b

def setup_inputs(seed: int = 0):
    key = jax.random.key(seed)
    ks = jax.random.split(key, 12)
    sc = 0.05
    return {
        "vocab_ids": jax.random.randint(ks[0], (N,), 0, V),
        "labels": jax.random.randint(ks[1], (N,), 0, C),
        "edge_index": jax.random.randint(ks[2], (2, E), 0, N),
        "emb": jax.random.normal(ks[3], (V, H), dtype=jnp.float32) * sc,
        "Wq": jax.random.normal(ks[4], (L, H, H), dtype=jnp.float32) * sc,
        "Wk": jax.random.normal(ks[5], (L, H, H), dtype=jnp.float32) * sc,
        "Wv": jax.random.normal(ks[6], (L, H, H), dtype=jnp.float32) * sc,
        "W1": jax.random.normal(ks[7], (L, H, F), dtype=jnp.float32) * sc,
        "W2": jax.random.normal(ks[8], (L, F, H), dtype=jnp.float32) * sc,
        "ln1_s": jnp.ones((L, H), dtype=jnp.float32),
        "ln1_b": jnp.zeros((L, H), dtype=jnp.float32),
        "ln2_s": jnp.ones((L, H), dtype=jnp.float32),
        "ln2_b": jnp.zeros((L, H), dtype=jnp.float32),
        "Wg": jax.random.normal(ks[9], (2 * H, C), dtype=jnp.float32) * sc,
        "bg": jnp.zeros((C,), dtype=jnp.float32),
        "Wt": jax.random.normal(ks[10], (H, C), dtype=jnp.float32) * sc,
        "bt": jnp.zeros((C,), dtype=jnp.float32),
    }

def reference(vocab_ids, labels, edge_index, emb, Wq, Wk, Wv, W1, W2, ln1_s, ln1_b, ln2_s, ln2_b, Wg, bg, Wt, bt):
    # GraphTransformerModel forward: node embedding lookup -> L graph-transformer
    # layers (edgewise self-attention message passing + transformer FFN update)
    # -> gated nodewise readout producing per-node logits.
    src = edge_index[0]
    dst = edge_index[1]
    x0 = jnp.take(emb, vocab_ids, axis=0)
    x = x0
    for l in range(L):
        q = x @ Wq[l]
        k = x @ Wk[l]
        v = x @ Wv[l]
        # per-edge attention score q[dst] . k[src]
        score = (jnp.take(q, dst, axis=0) * jnp.take(k, src, axis=0)).sum(-1) / np.sqrt(H)
        # segment softmax over incoming edges of each dst node
        smax = jax.ops.segment_max(score, dst, num_segments=N)
        ex = jnp.exp(score - jnp.take(smax, dst, axis=0))
        den = jax.ops.segment_sum(ex, dst, num_segments=N)
        alpha = ex / (jnp.take(den, dst, axis=0) + 1e-9)
        agg = jax.ops.segment_sum(alpha[:, None] * jnp.take(v, src, axis=0), dst, num_segments=N)
        h1 = _ln(x + agg, ln1_s[l], ln1_b[l])
        x = _ln(h1 + jax.nn.relu(h1 @ W1[l]) @ W2[l], ln2_s[l], ln2_b[l])
    # gated readout over concat(raw_in, raw_out)
    gate = jax.nn.sigmoid(jnp.concatenate([x0, x], axis=-1) @ Wg + bg)
    logits = gate * (x @ Wt + bt)
    return logits

if __name__ == "__main__":
    import jax
    _d = setup_inputs()
    print(jax.jit(kernel)(*tuple(_d.values())))

</pallas_src>

<mosaic_0001>
#map = affine_map<(d0, d1) -> (0, 0)>
#map1 = affine_map<(d0, d1) -> (0)>
module attributes {stable_mosaic.version = 14 : i64} {
  func.func @_emb_body(%arg0: i32, %arg1: i32, %arg2: memref<50000x128xf32, #tpu.memory_space<hbm>>, %arg3: memref<10240xi32, #tpu.memory_space<hbm>>, %arg4: memref<10240x128xf32, #tpu.memory_space<hbm>>, %arg5: memref<32xi32, #tpu.memory_space<vmem>>, %arg6: memref<32x128xf32, #tpu.memory_space<vmem>>, %arg7: memref<!tpu.dma_semaphore, #tpu.memory_space<semaphore_mem>>) attributes {dimension_semantics = [#tpu.dimension_semantics<core_parallel>, #tpu.dimension_semantics<subcore_parallel>], iteration_bounds = array<i64: 2, 16>, scalar_prefetch = 0 : i64, scratch_operands = 3 : i64, tpu.core_type = #tpu.core_type<sc_vector_subcore>, window_params = [{transform_indices = #map}, {transform_indices = #map1}, {transform_indices = #map}]} {
    %mul3A = arith.constant 2 : i32
    %mul3A_0 = arith.muli %arg1, %mul3A : i32
    %add3A = arith.addi %mul3A_0, %arg0 : i32
    %mul3A_1 = arith.constant 320 : i32
    %mul3A_2 = arith.muli %add3A, %mul3A_1 : i32
    %add3A_3 = arith.constant 0 : i32
    %add3A_4 = arith.addi %mul3A_2, %add3A_3 : i32
    "tpu.region"() ({
      %run_scoped3A = tpu.sem_alloc : memref<!tpu.dma_semaphore, #tpu.memory_space<semaphore_mem>>
      %dma_start3A_81 = tpu.memref_slice %arg3[%add3A_4] : memref<10240xi32, #tpu.memory_space<hbm>> -> memref<32xi32, #tpu.memory_space<hbm>>
      %dma_start3A_82 = tpu.memref_slice %arg3[%add3A_4] : memref<10240xi32, #tpu.memory_space<hbm>> -> memref<32xi32, #tpu.memory_space<hbm>>
      tpu.enqueue_dma source(%dma_start3A_82 : memref<32xi32, #tpu.memory_space<hbm>>) target(%arg5 : memref<32xi32, #tpu.memory_space<vmem>>) target_semaphore(%run_scoped3A : memref<!tpu.dma_semaphore, #tpu.memory_space<semaphore_mem>>)
      %dma_wait3A_83 = tpu.memref_slice %arg3[%add3A_4] : memref<10240xi32, #tpu.memory_space<hbm>> -> memref<32xi32, #tpu.memory_space<hbm>>
      %dma_wait3A_84 = tpu.memref_slice %arg3[%add3A_4] : memref<10240xi32, #tpu.memory_space<hbm>> -> memref<32xi32, #tpu.memory_space<hbm>>
      tpu.wait_dma2 semaphore(%run_scoped3A : memref<!tpu.dma_semaphore, #tpu.memory_space<semaphore_mem>>) src(%dma_wait3A_84 : memref<32xi32, #tpu.memory_space<hbm>>) dst(%arg5 : memref<32xi32, #tpu.memory_space<vmem>>)
      tpu.yield
    }) : () -> ()
    %dma_start3A = arith.constant 0 : i32
    %dma_start3A_5 = arith.constant 0 : i32
    %dma_start3A_6 = tpu.memref_slice %arg2[%dma_start3A, %dma_start3A_5] : memref<50000x128xf32, #tpu.memory_space<hbm>> -> memref<50000x128xf32, #tpu.memory_space<hbm>>
    tpu.enqueue_indirect_dma source(%dma_start3A_6 : memref<50000x128xf32, #tpu.memory_space<hbm>>) target(%arg6 : memref<32x128xf32, #tpu.memory_space<vmem>>) offsets(%arg5 : memref<32xi32, #tpu.memory_space<vmem>>) semaphore(%arg7 : memref<!tpu.dma_semaphore, #tpu.memory_space<semaphore_mem>>)
    %dma_wait3A = arith.constant 0 : i32
    %dma_wait3A_7 = arith.constant 0 : i32
    %dma_wait3A_8 = tpu.memref_slice %arg2[%dma_wait3A, %dma_wait3A_7] : memref<50000x128xf32, #tpu.memory_space<hbm>> -> memref<50000x128xf32, #tpu.memory_space<hbm>>
    tpu.wait_indirect_dma semaphore(%arg7 : memref<!tpu.dma_semaphore, #tpu.memory_space<semaphore_mem>>) src(%dma_wait3A_8 : memref<50000x128xf32, #tpu.memory_space<hbm>>) dst(%arg6 : memref<32x128xf32, #tpu.memory_space<vmem>>)
    "tpu.region"() ({
      %run_scoped3A = tpu.sem_alloc : memref<!tpu.dma_semaphore, #tpu.memory_space<semaphore_mem>>
      %dma_start3A_81 = arith.constant 0 : i32
      %dma_start3A_82 = tpu.memref_slice %arg4[%add3A_4, %dma_start3A_81] : memref<10240x128xf32, #tpu.memory_space<hbm>> -> memref<32x128xf32, #tpu.memory_space<hbm>>
      %dma_start3A_83 = arith.constant 0 : i32
      %dma_start3A_84 = tpu.memref_slice %arg4[%add3A_4, %dma_start3A_83] : memref<10240x128xf32, #tpu.memory_space<hbm>> -> memref<32x128xf32, #tpu.memory_space<hbm>>
      tpu.enqueue_dma source(%arg6 : memref<32x128xf32, #tpu.memory_space<vmem>>) target(%dma_start3A_84 : memref<32x128xf32, #tpu.memory_space<hbm>>) target_semaphore(%run_scoped3A : memref<!tpu.dma_semaphore, #tpu.memory_space<semaphore_mem>>)
      %dma_wait3A_85 = arith.constant 0 : i32
      %dma_wait3A_86 = tpu.memref_slice %arg4[%add3A_4, %dma_wait3A_85] : memref<10240x128xf32, #tpu.memory_space<hbm>> -> memref<32x128xf32, #tpu.memory_space<hbm>>
      %dma_wait3A_87 = arith.constant 0 : i32
      %dma_wait3A_88 = tpu.memref_slice %arg4[%add3A_4, %dma_wait3A_87] : memref<10240x128xf32, #tpu.memory_space<hbm>> -> memref<32x128xf32, #tpu.memory_space<hbm>>
      tpu.wait_dma2 semaphore(%run_scoped3A : memref<!tpu.dma_semaphore, #tpu.memory_space<semaphore_mem>>) src(%arg6 : memref<32x128xf32, #tpu.memory_space<vmem>>) dst(%dma_wait3A_88 : memref<32x128xf32, #tpu.memory_space<hbm>>)
      tpu.yield
    }) : () -> ()
    %add3A_9 = arith.constant 32 : i32
    %add3A_10 = arith.addi %mul3A_2, %add3A_9 : i32
    "tpu.region"() ({
      %run_scoped3A = tpu.sem_alloc : memref<!tpu.dma_semaphore, #tpu.memory_space<semaphore_mem>>
      %dma_start3A_81 = tpu.memref_slice %arg3[%add3A_10] : memref<10240xi32, #tpu.memory_space<hbm>> -> memref<32xi32, #tpu.memory_space<hbm>>
      %dma_start3A_82 = tpu.memref_slice %arg3[%add3A_10] : memref<10240xi32, #tpu.memory_space<hbm>> -> memref<32xi32, #tpu.memory_space<hbm>>
      tpu.enqueue_dma source(%dma_start3A_82 : memref<32xi32, #tpu.memory_space<hbm>>) target(%arg5 : memref<32xi32, #tpu.memory_space<vmem>>) target_semaphore(%run_scoped3A : memref<!tpu.dma_semaphore, #tpu.memory_space<semaphore_mem>>)
      %dma_wait3A_83 = tpu.memref_slice %arg3[%add3A_10] : memref<10240xi32, #tpu.memory_space<hbm>> -> memref<32xi32, #tpu.memory_space<hbm>>
      %dma_wait3A_84 = tpu.memref_slice %arg3[%add3A_10] : memref<10240xi32, #tpu.memory_space<hbm>> -> memref<32xi32, #tpu.memory_space<hbm>>
      tpu.wait_dma2 semaphore(%run_scoped3A : memref<!tpu.dma_semaphore, #tpu.memory_space<semaphore_mem>>) src(%dma_wait3A_84 : memref<32xi32, #tpu.memory_space<hbm>>) dst(%arg5 : memref<32xi32, #tpu.memory_space<vmem>>)
      tpu.yield
    }) : () -> ()
    %dma_start3A_11 = arith.constant 0 : i32
    %dma_start3A_12 = arith.constant 0 : i32
    %dma_start3A_13 = tpu.memref_slice %arg2[%dma_start3A_11, %dma_start3A_12] : memref<50000x128xf32, #tpu.memory_space<hbm>> -> memref<50000x128xf32, #tpu.memory_space<hbm>>
    tpu.enqueue_indirect_dma source(%dma_start3A_13 : memref<50000x128xf32, #tpu.memory_space<hbm>>) target(%arg6 : memref<32x128xf32, #tpu.memory_space<vmem>>) offsets(%arg5 : memref<32xi32, #tpu.memory_space<vmem>>) semaphore(%arg7 : memref<!tpu.dma_semaphore, #tpu.memory_space<semaphore_mem>>)
    %dma_wait3A_14 = arith.constant 0 : i32
    %dma_wait3A_15 = arith.constant 0 : i32
    %dma_wait3A_16 = tpu.memref_slice %arg2[%dma_wait3A_14, %dma_wait3A_15] : memref<50000x128xf32, #tpu.memory_space<hbm>> -> memref<50000x128xf32, #tpu.memory_space<hbm>>
    tpu.wait_indirect_dma semaphore(%arg7 : memref<!tpu.dma_semaphore, #tpu.memory_space<semaphore_mem>>) src(%dma_wait3A_16 : memref<50000x128xf32, #tpu.memory_space<hbm>>) dst(%arg6 : memref<32x128xf32, #tpu.memory_space<vmem>>)
    "tpu.region"() ({
      %run_scoped3A = tpu.sem_alloc : memref<!tpu.dma_semaphore, #tpu.memory_space<semaphore_mem>>
      %dma_start3A_81 = arith.constant 0 : i32
      %dma_start3A_82 = tpu.memref_slice %arg4[%add3A_10, %dma_start3A_81] : memref<10240x128xf32, #tpu.memory_space<hbm>> -> memref<32x128xf32, #tpu.memory_space<hbm>>
      %dma_start3A_83 = arith.constant 0 : i32
      %dma_start3A_84 = tpu.memref_slice %arg4[%add3A_10, %dma_start3A_83] : memref<10240x128xf32, #tpu.memory_space<hbm>> -> memref<32x128xf32, #tpu.memory_space<hbm>>
      tpu.enqueue_dma source(%arg6 : memref<32x128xf32, #tpu.memory_space<vmem>>) target(%dma_start3A_84 : memref<32x128xf32, #tpu.memory_space<hbm>>) target_semaphore(%run_scoped3A : memref<!tpu.dma_semaphore, #tpu.memory_space<semaphore_mem>>)
      %dma_wait3A_85 = arith.constant 0 : i32
      %dma_wait3A_86 = tpu.memref_slice %arg4[%add3A_10, %dma_wait3A_85] : memref<10240x128xf32, #tpu.memory_space<hbm>> -> memref<32x128xf32, #tpu.memory_space<hbm>>
      %dma_wait3A_87 = arith.constant 0 : i32
      %dma_wait3A_88 = tpu.memref_slice %arg4[%add3A_10, %dma_wait3A_87] : memref<10240x128xf32, #tpu.memory_space<hbm>> -> memref<32x128xf32, #tpu.memory_space<hbm>>
      tpu.wait_dma2 semaphore(%run_scoped3A : memref<!tpu.dma_semaphore, #tpu.memory_space<semaphore_mem>>) src(%arg6 : memref<32x128xf32, #tpu.memory_space<vmem>>) dst(%dma_wait3A_88 : memref<32x128xf32, #tpu.memory_space<hbm>>)
      tpu.yield
    }) : () -> ()
    %add3A_17 = arith.constant 64 : i32
    %add3A_18 = arith.addi %mul3A_2, %add3A_17 : i32
    "tpu.region"() ({
      %run_scoped3A = tpu.sem_alloc : memref<!tpu.dma_semaphore, #tpu.memory_space<semaphore_mem>>
      %dma_start3A_81 = tpu.memref_slice %arg3[%add3A_18] : memref<10240xi32, #tpu.memory_space<hbm>> -> memref<32xi32, #tpu.memory_space<hbm>>
      %dma_start3A_82 = tpu.memref_slice %arg3[%add3A_18] : memref<10240xi32, #tpu.memory_space<hbm>> -> memref<32xi32, #tpu.memory_space<hbm>>
      tpu.enqueue_dma source(%dma_start3A_82 : memref<32xi32, #tpu.memory_space<hbm>>) target(%arg5 : memref<32xi32, #tpu.memory_space<vmem>>) target_semaphore(%run_scoped3A : memref<!tpu.dma_semaphore, #tpu.memory_space<semaphore_mem>>)
      %dma_wait3A_83 = tpu.memref_slice %arg3[%add3A_18] : memref<10240xi32, #tpu.memory_space<hbm>> -> memref<32xi32, #tpu.memory_space<hbm>>
      %dma_wait3A_84 = tpu.memref_slice %arg3[%add3A_18] : memref<10240xi32, #tpu.memory_space<hbm>> -> memref<32xi32, #tpu.memory_space<hbm>>
      tpu.wait_dma2 semaphore(%run_scoped3A : memref<!tpu.dma_semaphore, #tpu.memory_space<semaphore_mem>>) src(%dma_wait3A_84 : memref<32xi32, #tpu.memory_space<hbm>>) dst(%arg5 : memref<32xi32, #tpu.memory_space<vmem>>)
      tpu.yield
    }) : () -> ()
    %dma_start3A_19 = arith.constant 0 : i32
    %dma_start3A_20 = arith.constant 0 : i32
    %dma_start3A_21 = tpu.memref_slice %arg2[%dma_start3A_19, %dma_start3A_20] : memref<50000x128xf32, #tpu.memory_space<hbm>> -> memref<50000x128xf32, #tpu.memory_space<hbm>>
    tpu.enqueue_indirect_dma source(%dma_start3A_21 : memref<50000x128xf32, #tpu.memory_space<hbm>>) target(%arg6 : memref<32x128xf32, #tpu.memory_space<vmem>>) offsets(%arg5 : memref<32xi32, #tpu.memory_space<vmem>>) semaphore(%arg7 : memref<!tpu.dma_semaphore, #tpu.memory_space<semaphore_mem>>)
    %dma_wait3A_22 = arith.constant 0 : i32
    %dma_wait3A_23 = arith.constant 0 : i32
    %dma_wait3A_24 = tpu.memref_slice %arg2[%dma_wait3A_22, %dma_wait3A_23] : memref<50000x128xf32, #tpu.memory_space<hbm>> -> memref<50000x128xf32, #tpu.memory_space<hbm>>
    tpu.wait_indirect_dma semaphore(%arg7 : memref<!tpu.dma_semaphore, #tpu.memory_space<semaphore_mem>>) src(%dma_wait3A_24 : memref<50000x128xf32, #tpu.memory_space<hbm>>) dst(%arg6 : memref<32x128xf32, #tpu.memory_space<vmem>>)
    "tpu.region"() ({
      %run_scoped3A = tpu.sem_alloc : memref<!tpu.dma_semaphore, #tpu.memory_space<semaphore_mem>>
      %dma_start3A_81 = arith.constant 0 : i32
      %dma_start3A_82 = tpu.memref_slice %arg4[%add3A_18, %dma_start3A_81] : memref<10240x128xf32, #tpu.memory_space<hbm>> -> memref<32x128xf32, #tpu.memory_space<hbm>>
      %dma_start3A_83 = arith.constant 0 : i32
      %dma_start3A_84 = tpu.memref_slice %arg4[%add3A_18, %dma_start3A_83] : memref<10240x128xf32, #tpu.memory_space<hbm>> -> memref<32x128xf32, #tpu.memory_space<hbm>>
      tpu.enqueue_dma source(%arg6 : memref<32x128xf32, #tpu.memory_space<vmem>>) target(%dma_start3A_84 : memref<32x128xf32, #tpu.memory_space<hbm>>) target_semaphore(%run_scoped3A : memref<!tpu.dma_semaphore, #tpu.memory_space<semaphore_mem>>)
      %dma_wait3A_85 = arith.constant 0 : i32
      %dma_wait3A_86 = tpu.memref_slice %arg4[%add3A_18, %dma_wait3A_85] : memref<10240x128xf32, #tpu.memory_space<hbm>> -> memref<32x128xf32, #tpu.memory_space<hbm>>
      %dma_wait3A_87 = arith.constant 0 : i32
      %dma_wait3A_88 = tpu.memref_slice %arg4[%add3A_18, %dma_wait3A_87] : memref<10240x128xf32, #tpu.memory_space<hbm>> -> memref<32x128xf32, #tpu.memory_space<hbm>>
      tpu.wait_dma2 semaphore(%run_scoped3A : memref<!tpu.dma_semaphore, #tpu.memory_space<semaphore_mem>>) src(%arg6 : memref<32x128xf32, #tpu.memory_space<vmem>>) dst(%dma_wait3A_88 : memref<32x128xf32, #tpu.memory_space<hbm>>)
      tpu.yield
    }) : () -> ()
    %add3A_25 = arith.constant 96 : i32
    %add3A_26 = arith.addi %mul3A_2, %add3A_25 : i32
    "tpu.region"() ({
      %run_scoped3A = tpu.sem_alloc : memref<!tpu.dma_semaphore, #tpu.memory_space<semaphore_mem>>
      %dma_start3A_81 = tpu.memref_slice %arg3[%add3A_26] : memref<10240xi32, #tpu.memory_space<hbm>> -> memref<32xi32, #tpu.memory_space<hbm>>
      %dma_start3A_82 = tpu.memref_slice %arg3[%add3A_26] : memref<10240xi32, #tpu.memory_space<hbm>> -> memref<32xi32, #tpu.memory_space<hbm>>
      tpu.enqueue_dma source(%dma_start3A_82 : memref<32xi32, #tpu.memory_space<hbm>>) target(%arg5 : memref<32xi32, #tpu.memory_space<vmem>>) target_semaphore(%run_scoped3A : memref<!tpu.dma_semaphore, #tpu.memory_space<semaphore_mem>>)
      %dma_wait3A_83 = tpu.memref_slice %arg3[%add3A_26] : memref<10240xi32, #tpu.memory_space<hbm>> -> memref<32xi32, #tpu.memory_space<hbm>>
      %dma_wait3A_84 = tpu.memref_slice %arg3[%add3A_26] : memref<10240xi32, #tpu.memory_space<hbm>> -> memref<32xi32, #tpu.memory_space<hbm>>
      tpu.wait_dma2 semaphore(%run_scoped3A : memref<!tpu.dma_semaphore, #tpu.memory_space<semaphore_mem>>) src(%dma_wait3A_84 : memref<32xi32, #tpu.memory_space<hbm>>) dst(%arg5 : memref<32xi32, #tpu.memory_space<vmem>>)
      tpu.yield
    }) : () -> ()
    %dma_start3A_27 = arith.constant 0 : i32
    %dma_start3A_28 = arith.constant 0 : i32
    %dma_start3A_29 = tpu.memref_slice %arg2[%dma_start3A_27, %dma_start3A_28] : memref<50000x128xf32, #tpu.memory_space<hbm>> -> memref<50000x128xf32, #tpu.memory_space<hbm>>
    tpu.enqueue_indirect_dma source(%dma_start3A_29 : memref<50000x128xf32, #tpu.memory_space<hbm>>) target(%arg6 : memref<32x128xf32, #tpu.memory_space<vmem>>) offsets(%arg5 : memref<32xi32, #tpu.memory_space<vmem>>) semaphore(%arg7 : memref<!tpu.dma_semaphore, #tpu.memory_space<semaphore_mem>>)
    %dma_wait3A_30 = arith.constant 0 : i32
    %dma_wait3A_31 = arith.constant 0 : i32
    %dma_wait3A_32 = tpu.memref_slice %arg2[%dma_wait3A_30, %dma_wait3A_31] : memref<50000x128xf32, #tpu.memory_space<hbm>> -> memref<50000x128xf32, #tpu.memory_space<hbm>>
    tpu.wait_indirect_dma semaphore(%arg7 : memref<!tpu.dma_semaphore, #tpu.memory_space<semaphore_mem>>) src(%dma_wait3A_32 : memref<50000x128xf32, #tpu.memory_space<hbm>>) dst(%arg6 : memref<32x128xf32, #tpu.memory_space<vmem>>)
    "tpu.region"() ({
      %run_scoped3A = tpu.sem_alloc : memref<!tpu.dma_semaphore, #tpu.memory_space<semaphore_mem>>
      %dma_start3A_81 = arith.constant 0 : i32
      %dma_start3A_82 = tpu.memref_slice %arg4[%add3A_26, %dma_start3A_81] : memref<10240x128xf32, #tpu.memory_space<hbm>> -> memref<32x128xf32, #tpu.memory_space<hbm>>
      %dma_start3A_83 = arith.constant 0 : i32
      %dma_start3A_84 = tpu.memref_slice %arg4[%add3A_26, %dma_start3A_83] : memref<10240x128xf32, #tpu.memory_space<hbm>> -> memref<32x128xf32, #tpu.memory_space<hbm>>
      tpu.enqueue_dma source(%arg6 : memref<32x128xf32, #tpu.memory_space<vmem>>) target(%dma_start3A_84 : memref<32x128xf32, #tpu.memory_space<hbm>>) target_semaphore(%run_scoped3A : memref<!tpu.dma_semaphore, #tpu.memory_space<semaphore_mem>>)
      %dma_wait3A_85 = arith.constant 0 : i32
      %dma_wait3A_86 = tpu.memref_slice %arg4[%add3A_26, %dma_wait3A_85] : memref<10240x128xf32, #tpu.memory_space<hbm>> -> memref<32x128xf32, #tpu.memory_space<hbm>>
      %dma_wait3A_87 = arith.constant 0 : i32
      %dma_wait3A_88 = tpu.memref_slice %arg4[%add3A_26, %dma_wait3A_87] : memref<10240x128xf32, #tpu.memory_space<hbm>> -> memref<32x128xf32, #tpu.memory_space<hbm>>
      tpu.wait_dma2 semaphore(%run_scoped3A : memref<!tpu.dma_semaphore, #tpu.memory_space<semaphore_mem>>) src(%arg6 : memref<32x128xf32, #tpu.memory_space<vmem>>) dst(%dma_wait3A_88 : memref<32x128xf32, #tpu.memory_space<hbm>>)
      tpu.yield
    }) : () -> ()
    %add3A_33 = arith.constant 128 : i32
    %add3A_34 = arith.addi %mul3A_2, %add3A_33 : i32
    "tpu.region"() ({
      %run_scoped3A = tpu.sem_alloc : memref<!tpu.dma_semaphore, #tpu.memory_space<semaphore_mem>>
      %dma_start3A_81 = tpu.memref_slice %arg3[%add3A_34] : memref<10240xi32, #tpu.memory_space<hbm>> -> memref<32xi32, #tpu.memory_space<hbm>>
      %dma_start3A_82 = tpu.memref_slice %arg3[%add3A_34] : memref<10240xi32, #tpu.memory_space<hbm>> -> memref<32xi32, #tpu.memory_space<hbm>>
      tpu.enqueue_dma source(%dma_start3A_82 : memref<32xi32, #tpu.memory_space<hbm>>) target(%arg5 : memref<32xi32, #tpu.memory_space<vmem>>) target_semaphore(%run_scoped3A : memref<!tpu.dma_semaphore, #tpu.memory_space<semaphore_mem>>)
      %dma_wait3A_83 = tpu.memref_slice %arg3[%add3A_34] : memref<10240xi32, #tpu.memory_space<hbm>> -> memref<32xi32, #tpu.memory_space<hbm>>
      %dma_wait3A_84 = tpu.memref_slice %arg3[%add3A_34] : memref<10240xi32, #tpu.memory_space<hbm>> -> memref<32xi32, #tpu.memory_space<hbm>>
      tpu.wait_dma2 semaphore(%run_scoped3A : memref<!tpu.dma_semaphore, #tpu.memory_space<semaphore_mem>>) src(%dma_wait3A_84 : memref<32xi32, #tpu.memory_space<hbm>>) dst(%arg5 : memref<32xi32, #tpu.memory_space<vmem>>)
      tpu.yield
    }) : () -> ()
    %dma_start3A_35 = arith.constant 0 : i32
    %dma_start3A_36 = arith.constant 0 : i32
    %dma_start3A_37 = tpu.memref_slice %arg2[%dma_start3A_35, %dma_start3A_36] : memref<50000x128xf32, #tpu.memory_space<hbm>> -> memref<50000x128xf32, #tpu.memory_space<hbm>>
    tpu.enqueue_indirect_dma source(%dma_start3A_37 : memref<50000x128xf32, #tpu.memory_space<hbm>>) target(%arg6 : memref<32x128xf32, #tpu.memory_space<vmem>>) offsets(%arg5 : memref<32xi32, #tpu.memory_space<vmem>>) semaphore(%arg7 : memref<!tpu.dma_semaphore, #tpu.memory_space<semaphore_mem>>)
    %dma_wait3A_38 = arith.constant 0 : i32
    %dma_wait3A_39 = arith.constant 0 : i32
    %dma_wait3A_40 = tpu.memref_slice %arg2[%dma_wait3A_38, %dma_wait3A_39] : memref<50000x128xf32, #tpu.memory_space<hbm>> -> memref<50000x128xf32, #tpu.memory_space<hbm>>
    tpu.wait_indirect_dma semaphore(%arg7 : memref<!tpu.dma_semaphore, #tpu.memory_space<semaphore_mem>>) src(%dma_wait3A_40 : memref<50000x128xf32, #tpu.memory_space<hbm>>) dst(%arg6 : memref<32x128xf32, #tpu.memory_space<vmem>>)
    "tpu.region"() ({
      %run_scoped3A = tpu.sem_alloc : memref<!tpu.dma_semaphore, #tpu.memory_space<semaphore_mem>>
      %dma_start3A_81 = arith.constant 0 : i32
      %dma_start3A_82 = tpu.memref_slice %arg4[%add3A_34, %dma_start3A_81] : memref<10240x128xf32, #tpu.memory_space<hbm>> -> memref<32x128xf32, #tpu.memory_space<hbm>>
      %dma_start3A_83 = arith.constant 0 : i32
      %dma_start3A_84 = tpu.memref_slice %arg4[%add3A_34, %dma_start3A_83] : memref<10240x128xf32, #tpu.memory_space<hbm>> -> memref<32x128xf32, #tpu.memory_space<hbm>>
      tpu.enqueue_dma source(%arg6 : memref<32x128xf32, #tpu.memory_space<vmem>>) target(%dma_start3A_84 : memref<32x128xf32, #tpu.memory_space<hbm>>) target_semaphore(%run_scoped3A : memref<!tpu.dma_semaphore, #tpu.memory_space<semaphore_mem>>)
      %dma_wait3A_85 = arith.constant 0 : i32
      %dma_wait3A_86 = tpu.memref_slice %arg4[%add3A_34, %dma_wait3A_85] : memref<10240x128xf32, #tpu.memory_space<hbm>> -> memref<32x128xf32, #tpu.memory_space<hbm>>
      %dma_wait3A_87 = arith.constant 0 : i32
      %dma_wait3A_88 = tpu.memref_slice %arg4[%add3A_34, %dma_wait3A_87] : memref<10240x128xf32, #tpu.memory_space<hbm>> -> memref<32x128xf32, #tpu.memory_space<hbm>>
      tpu.wait_dma2 semaphore(%run_scoped3A : memref<!tpu.dma_semaphore, #tpu.memory_space<semaphore_mem>>) src(%arg6 : memref<32x128xf32, #tpu.memory_space<vmem>>) dst(%dma_wait3A_88 : memref<32x128xf32, #tpu.memory_space<hbm>>)
      tpu.yield
    }) : () -> ()
    %add3A_41 = arith.constant 160 : i32
    %add3A_42 = arith.addi %mul3A_2, %add3A_41 : i32
    "tpu.region"() ({
      %run_scoped3A = tpu.sem_alloc : memref<!tpu.dma_semaphore, #tpu.memory_space<semaphore_mem>>
      %dma_start3A_81 = tpu.memref_slice %arg3[%add3A_42] : memref<10240xi32, #tpu.memory_space<hbm>> -> memref<32xi32, #tpu.memory_space<hbm>>
      %dma_start3A_82 = tpu.memref_slice %arg3[%add3A_42] : memref<10240xi32, #tpu.memory_space<hbm>> -> memref<32xi32, #tpu.memory_space<hbm>>
      tpu.enqueue_dma source(%dma_start3A_82 : memref<32xi32, #tpu.memory_space<hbm>>) target(%arg5 : memref<32xi32, #tpu.memory_space<vmem>>) target_semaphore(%run_scoped3A : memref<!tpu.dma_semaphore, #tpu.memory_space<semaphore_mem>>)
      %dma_wait3A_83 = tpu.memref_slice %arg3[%add3A_42] : memref<10240xi32, #tpu.memory_space<hbm>> -> memref<32xi32, #tpu.memory_space<hbm>>
      %dma_wait3A_84 = tpu.memref_slice %arg3[%add3A_42] : memref<10240xi32, #tpu.memory_space<hbm>> -> memref<32xi32, #tpu.memory_space<hbm>>
      tpu.wait_dma2 semaphore(%run_scoped3A : memref<!tpu.dma_semaphore, #tpu.memory_space<semaphore_mem>>) src(%dma_wait3A_84 : memref<32xi32, #tpu.memory_space<hbm>>) dst(%arg5 : memref<32xi32, #tpu.memory_space<vmem>>)
      tpu.yield
    }) : () -> ()
    %dma_start3A_43 = arith.constant 0 : i32
    %dma_start3A_44 = arith.constant 0 : i32
    %dma_start3A_45 = tpu.memref_slice %arg2[%dma_start3A_43, %dma_start3A_44] : memref<50000x128xf32, #tpu.memory_space<hbm>> -> memref<50000x128xf32, #tpu.memory_space<hbm>>
    tpu.enqueue_indirect_dma source(%dma_start3A_45 : memref<50000x128xf32, #tpu.memory_space<hbm>>) target(%arg6 : memref<32x128xf32, #tpu.memory_space<vmem>>) offsets(%arg5 : memref<32xi32, #tpu.memory_space<vmem>>) semaphore(%arg7 : memref<!tpu.dma_semaphore, #tpu.memory_space<semaphore_mem>>)
    %dma_wait3A_46 = arith.constant 0 : i32
    %dma_wait3A_47 = arith.constant 0 : i32
    %dma_wait3A_48 = tpu.memref_slice %arg2[%dma_wait3A_46, %dma_wait3A_47] : memref<50000x128xf32, #tpu.memory_space<hbm>> -> memref<50000x128xf32, #tpu.memory_space<hbm>>
    tpu.wait_indirect_dma semaphore(%arg7 : memref<!tpu.dma_semaphore, #tpu.memory_space<semaphore_mem>>) src(%dma_wait3A_48 : memref<50000x128xf32, #tpu.memory_space<hbm>>) dst(%arg6 : memref<32x128xf32, #tpu.memory_space<vmem>>)
    "tpu.region"() ({
      %run_scoped3A = tpu.sem_alloc : memref<!tpu.dma_semaphore, #tpu.memory_space<semaphore_mem>>
      %dma_start3A_81 = arith.constant 0 : i32
      %dma_start3A_82 = tpu.memref_slice %arg4[%add3A_42, %dma_start3A_81] : memref<10240x128xf32, #tpu.memory_space<hbm>> -> memref<32x128xf32, #tpu.memory_space<hbm>>
      %dma_start3A_83 = arith.constant 0 : i32
      %dma_start3A_84 = tpu.memref_slice %arg4[%add3A_42, %dma_start3A_83] : memref<10240x128xf32, #tpu.memory_space<hbm>> -> memref<32x128xf32, #tpu.memory_space<hbm>>
      tpu.enqueue_dma source(%arg6 : memref<32x128xf32, #tpu.memory_space<vmem>>) target(%dma_start3A_84 : memref<32x128xf32, #tpu.memory_space<hbm>>) target_semaphore(%run_scoped3A : memref<!tpu.dma_semaphore, #tpu.memory_space<semaphore_mem>>)
      %dma_wait3A_85 = arith.constant 0 : i32
      %dma_wait3A_86 = tpu.memref_slice %arg4[%add3A_42, %dma_wait3A_85] : memref<10240x128xf32, #tpu.memory_space<hbm>> -> memref<32x128xf32, #tpu.memory_space<hbm>>
      %dma_wait3A_87 = arith.constant 0 : i32
      %dma_wait3A_88 = tpu.memref_slice %arg4[%add3A_42, %dma_wait3A_87] : memref<10240x128xf32, #tpu.memory_space<hbm>> -> memref<32x128xf32, #tpu.memory_space<hbm>>
      tpu.wait_dma2 semaphore(%run_scoped3A : memref<!tpu.dma_semaphore, #tpu.memory_space<semaphore_mem>>) src(%arg6 : memref<32x128xf32, #tpu.memory_space<vmem>>) dst(%dma_wait3A_88 : memref<32x128xf32, #tpu.memory_space<hbm>>)
      tpu.yield
    }) : () -> ()
    %add3A_49 = arith.constant 192 : i32
    %add3A_50 = arith.addi %mul3A_2, %add3A_49 : i32
    "tpu.region"() ({
      %run_scoped3A = tpu.sem_alloc : memref<!tpu.dma_semaphore, #tpu.memory_space<semaphore_mem>>
      %dma_start3A_81 = tpu.memref_slice %arg3[%add3A_50] : memref<10240xi32, #tpu.memory_space<hbm>> -> memref<32xi32, #tpu.memory_space<hbm>>
      %dma_start3A_82 = tpu.memref_slice %arg3[%add3A_50] : memref<10240xi32, #tpu.memory_space<hbm>> -> memref<32xi32, #tpu.memory_space<hbm>>
      tpu.enqueue_dma source(%dma_start3A_82 : memref<32xi32, #tpu.memory_space<hbm>>) target(%arg5 : memref<32xi32, #tpu.memory_space<vmem>>) target_semaphore(%run_scoped3A : memref<!tpu.dma_semaphore, #tpu.memory_space<semaphore_mem>>)
      %dma_wait3A_83 = tpu.memref_slice %arg3[%add3A_50] : memref<10240xi32, #tpu.memory_space<hbm>> -> memref<32xi32, #tpu.memory_space<hbm>>
      %dma_wait3A_84 = tpu.memref_slice %arg3[%add3A_50] : memref<10240xi32, #tpu.memory_space<hbm>> -> memref<32xi32, #tpu.memory_space<hbm>>
      tpu.wait_dma2 semaphore(%run_scoped3A : memref<!tpu.dma_semaphore, #tpu.memory_space<semaphore_mem>>) src(%dma_wait3A_84 : memref<32xi32, #tpu.memory_space<hbm>>) dst(%arg5 : memref<32xi32, #tpu.memory_space<vmem>>)
      tpu.yield
    }) : () -> ()
    %dma_start3A_51 = arith.constant 0 : i32
    %dma_start3A_52 = arith.constant 0 : i32
    %dma_start3A_53 = tpu.memref_slice %arg2[%dma_start3A_51, %dma_start3A_52] : memref<50000x128xf32, #tpu.memory_space<hbm>> -> memref<50000x128xf32, #tpu.memory_space<hbm>>
    tpu.enqueue_indirect_dma source(%dma_start3A_53 : memref<50000x128xf32, #tpu.memory_space<hbm>>) target(%arg6 : memref<32x128xf32, #tpu.memory_space<vmem>>) offsets(%arg5 : memref<32xi32, #tpu.memory_space<vmem>>) semaphore(%arg7 : memref<!tpu.dma_semaphore, #tpu.memory_space<semaphore_mem>>)
    %dma_wait3A_54 = arith.constant 0 : i32
    %dma_wait3A_55 = arith.constant 0 : i32
    %dma_wait3A_56 = tpu.memref_slice %arg2[%dma_wait3A_54, %dma_wait3A_55] : memref<50000x128xf32, #tpu.memory_space<hbm>> -> memref<50000x128xf32, #tpu.memory_space<hbm>>
    tpu.wait_indirect_dma semaphore(%arg7 : memref<!tpu.dma_semaphore, #tpu.memory_space<semaphore_mem>>) src(%dma_wait3A_56 : memref<50000x128xf32, #tpu.memory_space<hbm>>) dst(%arg6 : memref<32x128xf32, #tpu.memory_space<vmem>>)
    "tpu.region"() ({
      %run_scoped3A = tpu.sem_alloc : memref<!tpu.dma_semaphore, #tpu.memory_space<semaphore_mem>>
      %dma_start3A_81 = arith.constant 0 : i32
      %dma_start3A_82 = tpu.memref_slice %arg4[%add3A_50, %dma_start3A_81] : memref<10240x128xf32, #tpu.memory_space<hbm>> -> memref<32x128xf32, #tpu.memory_space<hbm>>
      %dma_start3A_83 = arith.constant 0 : i32
      %dma_start3A_84 = tpu.memref_slice %arg4[%add3A_50, %dma_start3A_83] : memref<10240x128xf32, #tpu.memory_space<hbm>> -> memref<32x128xf32, #tpu.memory_space<hbm>>
      tpu.enqueue_dma source(%arg6 : memref<32x128xf32, #tpu.memory_space<vmem>>) target(%dma_start3A_84 : memref<32x128xf32, #tpu.memory_space<hbm>>) target_semaphore(%run_scoped3A : memref<!tpu.dma_semaphore, #tpu.memory_space<semaphore_mem>>)
      %dma_wait3A_85 = arith.constant 0 : i32
      %dma_wait3A_86 = tpu.memref_slice %arg4[%add3A_50, %dma_wait3A_85] : memref<10240x128xf32, #tpu.memory_space<hbm>> -> memref<32x128xf32, #tpu.memory_space<hbm>>
      %dma_wait3A_87 = arith.constant 0 : i32
      %dma_wait3A_88 = tpu.memref_slice %arg4[%add3A_50, %dma_wait3A_87] : memref<10240x128xf32, #tpu.memory_space<hbm>> -> memref<32x128xf32, #tpu.memory_space<hbm>>
      tpu.wait_dma2 semaphore(%run_scoped3A : memref<!tpu.dma_semaphore, #tpu.memory_space<semaphore_mem>>) src(%arg6 : memref<32x128xf32, #tpu.memory_space<vmem>>) dst(%dma_wait3A_88 : memref<32x128xf32, #tpu.memory_space<hbm>>)
      tpu.yield
    }) : () -> ()
    %add3A_57 = arith.constant 224 : i32
    %add3A_58 = arith.addi %mul3A_2, %add3A_57 : i32
    "tpu.region"() ({
      %run_scoped3A = tpu.sem_alloc : memref<!tpu.dma_semaphore, #tpu.memory_space<semaphore_mem>>
      %dma_start3A_81 = tpu.memref_slice %arg3[%add3A_58] : memref<10240xi32, #tpu.memory_space<hbm>> -> memref<32xi32, #tpu.memory_space<hbm>>
      %dma_start3A_82 = tpu.memref_slice %arg3[%add3A_58] : memref<10240xi32, #tpu.memory_space<hbm>> -> memref<32xi32, #tpu.memory_space<hbm>>
      tpu.enqueue_dma source(%dma_start3A_82 : memref<32xi32, #tpu.memory_space<hbm>>) target(%arg5 : memref<32xi32, #tpu.memory_space<vmem>>) target_semaphore(%run_scoped3A : memref<!tpu.dma_semaphore, #tpu.memory_space<semaphore_mem>>)
      %dma_wait3A_83 = tpu.memref_slice %arg3[%add3A_58] : memref<10240xi32, #tpu.memory_space<hbm>> -> memref<32xi32, #tpu.memory_space<hbm>>
      %dma_wait3A_84 = tpu.memref_slice %arg3[%add3A_58] : memref<10240xi32, #tpu.memory_space<hbm>> -> memref<32xi32, #tpu.memory_space<hbm>>
      tpu.wait_dma2 semaphore(%run_scoped3A : memref<!tpu.dma_semaphore, #tpu.memory_space<semaphore_mem>>) src(%dma_wait3A_84 : memref<32xi32, #tpu.memory_space<hbm>>) dst(%arg5 : memref<32xi32, #tpu.memory_space<vmem>>)
      tpu.yield
    }) : () -> ()
    %dma_start3A_59 = arith.constant 0 : i32
    %dma_start3A_60 = arith.constant 0 : i32
    %dma_start3A_61 = tpu.memref_slice %arg2[%dma_start3A_59, %dma_start3A_60] : memref<50000x128xf32, #tpu.memory_space<hbm>> -> memref<50000x128xf32, #tpu.memory_space<hbm>>
    tpu.enqueue_indirect_dma source(%dma_start3A_61 : memref<50000x128xf32, #tpu.memory_space<hbm>>) target(%arg6 : memref<32x128xf32, #tpu.memory_space<vmem>>) offsets(%arg5 : memref<32xi32, #tpu.memory_space<vmem>>) semaphore(%arg7 : memref<!tpu.dma_semaphore, #tpu.memory_space<semaphore_mem>>)
    %dma_wait3A_62 = arith.constant 0 : i32
    %dma_wait3A_63 = arith.constant 0 : i32
    %dma_wait3A_64 = tpu.memref_slice %arg2[%dma_wait3A_62, %dma_wait3A_63] : memref<50000x128xf32, #tpu.memory_space<hbm>> -> memref<50000x128xf32, #tpu.memory_space<hbm>>
    tpu.wait_indirect_dma semaphore(%arg7 : memref<!tpu.dma_semaphore, #tpu.memory_space<semaphore_mem>>) src(%dma_wait3A_64 : memref<50000x128xf32, #tpu.memory_space<hbm>>) dst(%arg6 : memref<32x128xf32, #tpu.memory_space<vmem>>)
    "tpu.region"() ({
      %run_scoped3A = tpu.sem_alloc : memref<!tpu.dma_semaphore, #tpu.memory_space<semaphore_mem>>
      %dma_start3A_81 = arith.constant 0 : i32
      %dma_start3A_82 = tpu.memref_slice %arg4[%add3A_58, %dma_start3A_81] : memref<10240x128xf32, #tpu.memory_space<hbm>> -> memref<32x128xf32, #tpu.memory_space<hbm>>
      %dma_start3A_83 = arith.constant 0 : i32
      %dma_start3A_84 = tpu.memref_slice %arg4[%add3A_58, %dma_start3A_83] : memref<10240x128xf32, #tpu.memory_space<hbm>> -> memref<32x128xf32, #tpu.memory_space<hbm>>
      tpu.enqueue_dma source(%arg6 : memref<32x128xf32, #tpu.memory_space<vmem>>) target(%dma_start3A_84 : memref<32x128xf32, #tpu.memory_space<hbm>>) target_semaphore(%run_scoped3A : memref<!tpu.dma_semaphore, #tpu.memory_space<semaphore_mem>>)
      %dma_wait3A_85 = arith.constant 0 : i32
      %dma_wait3A_86 = tpu.memref_slice %arg4[%add3A_58, %dma_wait3A_85] : memref<10240x128xf32, #tpu.memory_space<hbm>> -> memref<32x128xf32, #tpu.memory_space<hbm>>
      %dma_wait3A_87 = arith.constant 0 : i32
      %dma_wait3A_88 = tpu.memref_slice %arg4[%add3A_58, %dma_wait3A_87] : memref<10240x128xf32, #tpu.memory_space<hbm>> -> memref<32x128xf32, #tpu.memory_space<hbm>>
      tpu.wait_dma2 semaphore(%run_scoped3A : memref<!tpu.dma_semaphore, #tpu.memory_space<semaphore_mem>>) src(%arg6 : memref<32x128xf32, #tpu.memory_space<vmem>>) dst(%dma_wait3A_88 : memref<32x128xf32, #tpu.memory_space<hbm>>)
      tpu.yield
    }) : () -> ()
    %add3A_65 = arith.constant 256 : i32
    %add3A_66 = arith.addi %mul3A_2, %add3A_65 : i32
    "tpu.region"() ({
      %run_scoped3A = tpu.sem_alloc : memref<!tpu.dma_semaphore, #tpu.memory_space<semaphore_mem>>
      %dma_start3A_81 = tpu.memref_slice %arg3[%add3A_66] : memref<10240xi32, #tpu.memory_space<hbm>> -> memref<32xi32, #tpu.memory_space<hbm>>
      %dma_start3A_82 = tpu.memref_slice %arg3[%add3A_66] : memref<10240xi32, #tpu.memory_space<hbm>> -> memref<32xi32, #tpu.memory_space<hbm>>
      tpu.enqueue_dma source(%dma_start3A_82 : memref<32xi32, #tpu.memory_space<hbm>>) target(%arg5 : memref<32xi32, #tpu.memory_space<vmem>>) target_semaphore(%run_scoped3A : memref<!tpu.dma_semaphore, #tpu.memory_space<semaphore_mem>>)
      %dma_wait3A_83 = tpu.memref_slice %arg3[%add3A_66] : memref<10240xi32, #tpu.memory_space<hbm>> -> memref<32xi32, #tpu.memory_space<hbm>>
      %dma_wait3A_84 = tpu.memref_slice %arg3[%add3A_66] : memref<10240xi32, #tpu.memory_space<hbm>> -> memref<32xi32, #tpu.memory_space<hbm>>
      tpu.wait_dma2 semaphore(%run_scoped3A : memref<!tpu.dma_semaphore, #tpu.memory_space<semaphore_mem>>) src(%dma_wait3A_84 : memref<32xi32, #tpu.memory_space<hbm>>) dst(%arg5 : memref<32xi32, #tpu.memory_space<vmem>>)
      tpu.yield
    }) : () -> ()
    %dma_start3A_67 = arith.constant 0 : i32
    %dma_start3A_68 = arith.constant 0 : i32
    %dma_start3A_69 = tpu.memref_slice %arg2[%dma_start3A_67, %dma_start3A_68] : memref<50000x128xf32, #tpu.memory_space<hbm>> -> memref<50000x128xf32, #tpu.memory_space<hbm>>
    tpu.enqueue_indirect_dma source(%dma_start3A_69 : memref<50000x128xf32, #tpu.memory_space<hbm>>) target(%arg6 : memref<32x128xf32, #tpu.memory_space<vmem>>) offsets(%arg5 : memref<32xi32, #tpu.memory_space<vmem>>) semaphore(%arg7 : memref<!tpu.dma_semaphore, #tpu.memory_space<semaphore_mem>>)
    %dma_wait3A_70 = arith.constant 0 : i32
    %dma_wait3A_71 = arith.constant 0 : i32
    %dma_wait3A_72 = tpu.memref_slice %arg2[%dma_wait3A_70, %dma_wait3A_71] : memref<50000x128xf32, #tpu.memory_space<hbm>> -> memref<50000x128xf32, #tpu.memory_space<hbm>>
    tpu.wait_indirect_dma semaphore(%arg7 : memref<!tpu.dma_semaphore, #tpu.memory_space<semaphore_mem>>) src(%dma_wait3A_72 : memref<50000x128xf32, #tpu.memory_space<hbm>>) dst(%arg6 : memref<32x128xf32, #tpu.memory_space<vmem>>)
    "tpu.region"() ({
      %run_scoped3A = tpu.sem_alloc : memref<!tpu.dma_semaphore, #tpu.memory_space<semaphore_mem>>
      %dma_start3A_81 = arith.constant 0 : i32
      %dma_start3A_82 = tpu.memref_slice %arg4[%add3A_66, %dma_start3A_81] : memref<10240x128xf32, #tpu.memory_space<hbm>> -> memref<32x128xf32, #tpu.memory_space<hbm>>
      %dma_start3A_83 = arith.constant 0 : i32
      %dma_start3A_84 = tpu.memref_slice %arg4[%add3A_66, %dma_start3A_83] : memref<10240x128xf32, #tpu.memory_space<hbm>> -> memref<32x128xf32, #tpu.memory_space<hbm>>
      tpu.enqueue_dma source(%arg6 : memref<32x128xf32, #tpu.memory_space<vmem>>) target(%dma_start3A_84 : memref<32x128xf32, #tpu.memory_space<hbm>>) target_semaphore(%run_scoped3A : memref<!tpu.dma_semaphore, #tpu.memory_space<semaphore_mem>>)
      %dma_wait3A_85 = arith.constant 0 : i32
      %dma_wait3A_86 = tpu.memref_slice %arg4[%add3A_66, %dma_wait3A_85] : memref<10240x128xf32, #tpu.memory_space<hbm>> -> memref<32x128xf32, #tpu.memory_space<hbm>>
      %dma_wait3A_87 = arith.constant 0 : i32
      %dma_wait3A_88 = tpu.memref_slice %arg4[%add3A_66, %dma_wait3A_87] : memref<10240x128xf32, #tpu.memory_space<hbm>> -> memref<32x128xf32, #tpu.memory_space<hbm>>
      tpu.wait_dma2 semaphore(%run_scoped3A : memref<!tpu.dma_semaphore, #tpu.memory_space<semaphore_mem>>) src(%arg6 : memref<32x128xf32, #tpu.memory_space<vmem>>) dst(%dma_wait3A_88 : memref<32x128xf32, #tpu.memory_space<hbm>>)
      tpu.yield
    }) : () -> ()
    %add3A_73 = arith.constant 288 : i32
    %add3A_74 = arith.addi %mul3A_2, %add3A_73 : i32
    "tpu.region"() ({
      %run_scoped3A = tpu.sem_alloc : memref<!tpu.dma_semaphore, #tpu.memory_space<semaphore_mem>>
      %dma_start3A_81 = tpu.memref_slice %arg3[%add3A_74] : memref<10240xi32, #tpu.memory_space<hbm>> -> memref<32xi32, #tpu.memory_space<hbm>>
      %dma_start3A_82 = tpu.memref_slice %arg3[%add3A_74] : memref<10240xi32, #tpu.memory_space<hbm>> -> memref<32xi32, #tpu.memory_space<hbm>>
      tpu.enqueue_dma source(%dma_start3A_82 : memref<32xi32, #tpu.memory_space<hbm>>) target(%arg5 : memref<32xi32, #tpu.memory_space<vmem>>) target_semaphore(%run_scoped3A : memref<!tpu.dma_semaphore, #tpu.memory_space<semaphore_mem>>)
      %dma_wait3A_83 = tpu.memref_slice %arg3[%add3A_74] : memref<10240xi32, #tpu.memory_space<hbm>> -> memref<32xi32, #tpu.memory_space<hbm>>
      %dma_wait3A_84 = tpu.memref_slice %arg3[%add3A_74] : memref<10240xi32, #tpu.memory_space<hbm>> -> memref<32xi32, #tpu.memory_space<hbm>>
      tpu.wait_dma2 semaphore(%run_scoped3A : memref<!tpu.dma_semaphore, #tpu.memory_space<semaphore_mem>>) src(%dma_wait3A_84 : memref<32xi32, #tpu.memory_space<hbm>>) dst(%arg5 : memref<32xi32, #tpu.memory_space<vmem>>)
      tpu.yield
    }) : () -> ()
    %dma_start3A_75 = arith.constant 0 : i32
    %dma_start3A_76 = arith.constant 0 : i32
    %dma_start3A_77 = tpu.memref_slice %arg2[%dma_start3A_75, %dma_start3A_76] : memref<50000x128xf32, #tpu.memory_space<hbm>> -> memref<50000x128xf32, #tpu.memory_space<hbm>>
    tpu.enqueue_indirect_dma source(%dma_start3A_77 : memref<50000x128xf32, #tpu.memory_space<hbm>>) target(%arg6 : memref<32x128xf32, #tpu.memory_space<vmem>>) offsets(%arg5 : memref<32xi32, #tpu.memory_space<vmem>>) semaphore(%arg7 : memref<!tpu.dma_semaphore, #tpu.memory_space<semaphore_mem>>)
    %dma_wait3A_78 = arith.constant 0 : i32
    %dma_wait3A_79 = arith.constant 0 : i32
    %dma_wait3A_80 = tpu.memref_slice %arg2[%dma_wait3A_78, %dma_wait3A_79] : memref<50000x128xf32, #tpu.memory_space<hbm>> -> memref<50000x128xf32, #tpu.memory_space<hbm>>
    tpu.wait_indirect_dma semaphore(%arg7 : memref<!tpu.dma_semaphore, #tpu.memory_space<semaphore_mem>>) src(%dma_wait3A_80 : memref<50000x128xf32, #tpu.memory_space<hbm>>) dst(%arg6 : memref<32x128xf32, #tpu.memory_space<vmem>>)
    "tpu.region"() ({
      %run_scoped3A = tpu.sem_alloc : memref<!tpu.dma_semaphore, #tpu.memory_space<semaphore_mem>>
      %dma_start3A_81 = arith.constant 0 : i32
      %dma_start3A_82 = tpu.memref_slice %arg4[%add3A_74, %dma_start3A_81] : memref<10240x128xf32, #tpu.memory_space<hbm>> -> memref<32x128xf32, #tpu.memory_space<hbm>>
      %dma_start3A_83 = arith.constant 0 : i32
      %dma_start3A_84 = tpu.memref_slice %arg4[%add3A_74, %dma_start3A_83] : memref<10240x128xf32, #tpu.memory_space<hbm>> -> memref<32x128xf32, #tpu.memory_space<hbm>>
      tpu.enqueue_dma source(%arg6 : memref<32x128xf32, #tpu.memory_space<vmem>>) target(%dma_start3A_84 : memref<32x128xf32, #tpu.memory_space<hbm>>) target_semaphore(%run_scoped3A : memref<!tpu.dma_semaphore, #tpu.memory_space<semaphore_mem>>)
      %dma_wait3A_85 = arith.constant 0 : i32
      %dma_wait3A_86 = tpu.memref_slice %arg4[%add3A_74, %dma_wait3A_85] : memref<10240x128xf32, #tpu.memory_space<hbm>> -> memref<32x128xf32, #tpu.memory_space<hbm>>
      %dma_wait3A_87 = arith.constant 0 : i32
      %dma_wait3A_88 = tpu.memref_slice %arg4[%add3A_74, %dma_wait3A_87] : memref<10240x128xf32, #tpu.memory_space<hbm>> -> memref<32x128xf32, #tpu.memory_space<hbm>>
      tpu.wait_dma2 semaphore(%run_scoped3A : memref<!tpu.dma_semaphore, #tpu.memory_space<semaphore_mem>>) src(%arg6 : memref<32x128xf32, #tpu.memory_space<vmem>>) dst(%dma_wait3A_88 : memref<32x128xf32, #tpu.memory_space<hbm>>)
      tpu.yield
    }) : () -> ()
    return
  }
}

</mosaic_0001>

<sc_bundles>
// kernel: _emb_call.3.cloned.1.call-start
scs
__scs_entry_jumppad:
0x0: {  	(pc) =	sbr.rel $0x88, $3  }
0x1: {  	(tag) =	ssettag $0x0;
	lr =	simm.s32 $0x1  }
0x2: {  	[smem:$0x3F9F] =	sst lr;
	_ =	strace $0xD0000000  }
0x3: {  	_ = 	snop  }
0x4: {  	_ = 	snop  }
0x5: {  	_ = 	snop  }
0x6: {  	_ = 	snop  }
0x7: {  	_ = 	snop  }
__scs_overlays_trampoline_lowered:
0x8: {  	[smem:$0x3FAE] =	sst s0  }
0x9: {  	[smem:$0x3FAF] =	sst s1  }
0xa: {  	[smem:$0x3FB0] =	sst s2  }
0xb: {  	[smem:$0x3FB1] =	sst s3  }
0xc: {  	[smem:$0x3FB2] =	sst s4  }
0xd: {  	[smem:$0x3FB3] =	sst s5  }
0xe: {  	[smem:$0x3FB4] =	sst s6  }
0xf: {  	[smem:$0x3FB5] =	sst s7  }
0x10: {  	[smem:$0x3FB6] =	sst s8  }
0x11: {  	[smem:$0x3FB7] =	sst s9;
	s0 =	simm.s32 @!p0 $0x0  }
0x12: {  	s1 =	sld [smem:$0x3F9D];
	s0 =	simm.s32 @p0 $0x1  }
0x13: {  	[smem:$0x3FB8] =	sst s0;
	s0 =	simm.s32 @!p1 $0x0  }
0x14: {  	s2 =	sld [smem:$0x3F9C];
	s0 =	simm.s32 @p1 $0x1  }
0x15: {  	[smem:$0x3FB9] =	sst s0;
	s0 =	simm.s32 @!p2 $0x0  }
0x16: {  	s3 =	sld [smem:$0x3FDB];
	s0 =	simm.s32 @p2 $0x1  }
0x17: {  	s4 =	simm.s32 $0x1BF5;
	[smem:$0x3FBB] =	sst s0  }
0x18: {  	s0 =	sld [smem:$0x3F9E];
	_ =	swait.ge [sflag:s4], $0x0  }
0x19: {  	s7 =	sld [smem:$0x3F9F]  }
0x1a: {  	s8 =	sadd.s32 $0xFFFFE003, lr  }
0x1b: {  	s9 =	sadd.s32 $0xFFFFFEF7, lr;
	s5 =	simm.s32 $0xFFFFFFFF;
	p2 =	slt.u32 s8, $0xFFFFF086  }
0x1c: {  	p1 =	slt.u32 s9, $0xF7A;
	s5 =	simm.s32 @!p2 $0x0  }
0x1d: {  	s5 =	simm.s32 @p1 $0x1;
	p0 =	seq.s32 s7, s2  }
0x1e: {  	s7 =	smul.u32 @!p0 $0xF7A, s2;
	p2 =	seq.s32 @!p0 s5, $0x0  }
0x1f: {  	s9 =	smul.u32 $0xF7A, s1;
	s8 =	simm.s32 @!p0 $0x1BF5;
	p2 =	por !p2, p0  }
0x20: {  	[sflag:s8] =	ssyncset.s32 @!p0 $0xFFFFF086;
	s6 =	sadd.s32 @!p0 s3, s7;
	s7 =	simm.s32 @!p0 $0x108  }
0x21: {  	s3 =	sadd.s32 s3, s9;
	s6 =	sadd.s32 @!p0 $0x88, s6;
	s7 =	simm.s32 @p2 $0x1082  }
0x22: {  	[simem:s7], [sflag:s8] =	dma.local @!p0 [hbm:s6], $0xF7A  }
0x23: {  	s9 =	sor.u32 $0xD0000000, s2;
	s6 =	simm.s32 $0x108;
	_ =	swait.ge @!p0 [sflag:s8], $0x0  }
0x24: {  	s3 =	sadd.s32 $0x88, s3;
	s6 =	simm.s32 @!p1 $0x1082;
	[sflag:s4] =	ssyncset.s32 $0xFFFFF086  }
0x25: {  	[simem:s6], [sflag:s4] =	dma.local [hbm:s3], $0xF7A  }
0x26: {  	[smem:$0x3F9F] =	sst s1;
	(tag) =	ssettag s2;
	_ =	strace s9  }
0x27: {  	s1 =	sld [smem:$0x3FAF]  }
0x28: {  	s2 =	sld [smem:$0x3FB0]  }
0x29: {  	s4 =	sld [smem:$0x3FB2]  }
0x2a: {  	p0 =	seq.s32 s5, $0x0;
	s5 =	sld [smem:$0x3FB3]  }
0x2b: {  	s6 =	sld [smem:$0x3FB4]  }
0x2c: {  	s7 =	sld [smem:$0x3FB5]  }
0x2d: {  	s3 =	simm.s32 $0x108;
	s8 =	sld [smem:$0x3FB6]  }
0x2e: {  	s3 =	simm.s32 @!p0 $0x1082;
	s9 =	sld [smem:$0x3FB7]  }
0x2f: {  	lr =	sadd.s32 s0, s3;
	s0 =	sld [smem:$0x3FAE]  }
0x30: {  	s3 =	sld [smem:$0x3FB1]  }
0x31: {  	[smem:$0x3FBA] =	sst s10  }
0x32: {  	s10 =	sld [smem:$0x3FB8];
	_ =	sdelay $0x3  }
0x33: {  	p0 =	seq.s32 s10, $0x1;
	s10 =	sld [smem:$0x3FBA];
	_ =	sdelay $0x3  }
0x34: {  	[smem:$0x3FBA] =	sst s10  }
0x35: {  	s10 =	sld [smem:$0x3FB9];
	_ =	sdelay $0x3  }
0x36: {  	p1 =	seq.s32 s10, $0x1;
	s10 =	sld [smem:$0x3FBA];
	_ =	sdelay $0x3  }
0x37: {  	[smem:$0x3FBA] =	sst s10  }
0x38: {  	s10 =	sld [smem:$0x3FBB]  }
0x39: {  	_ = 	snop;
	(pc) =	sbr.ind lr, $3  }
0x3a: {  	_ = 	snop  }
0x3b: {  	_ = 	snop  }
0x3c: {  	p2 =	seq.s32 s10, $0x1;
	s10 =	sld [smem:$0x3FBA]  }
0x3d: {  	_ =	shalt  }
0x3e: {  	_ =	shalt  }
0x3f: {  	_ =	shalt  }
0x40: {  	_ =	shalt  }
0x41: {  	_ =	shalt  }
0x42: {  	_ =	shalt  }
0x43: {  	_ =	shalt  }
0x44: {  	_ =	shalt  }
0x45: {  	_ =	shalt  }
0x46: {  	_ =	shalt  }
0x47: {  	_ =	shalt  }
0x48: {  	_ =	shalt  }
0x49: {  	_ =	shalt  }
0x4a: {  	_ =	shalt  }
0x4b: {  	_ =	shalt  }
0x4c: {  	_ =	shalt  }
0x4d: {  	_ =	shalt  }
0x4e: {  	_ =	shalt  }
0x4f: {  	_ =	shalt  }
0x50: {  	_ =	shalt  }
0x51: {  	_ =	shalt  }
0x52: {  	_ =	shalt  }
0x53: {  	_ =	shalt  }
0x54: {  	_ =	shalt  }
0x55: {  	_ =	shalt  }
0x56: {  	_ =	shalt  }
0x57: {  	_ =	shalt  }
0x58: {  	_ =	shalt  }
0x59: {  	_ =	shalt  }
0x5a: {  	_ =	shalt  }
0x5b: {  	_ =	shalt  }
0x5c: {  	_ =	shalt  }
0x5d: {  	_ =	shalt  }
0x5e: {  	_ =	shalt  }
0x5f: {  	_ =	shalt  }
0x60: {  	_ =	shalt  }
0x61: {  	_ =	shalt  }
0x62: {  	_ =	shalt  }
0x63: {  	_ =	shalt  }
0x64: {  	_ =	shalt  }
0x65: {  	_ =	shalt  }
0x66: {  	_ =	shalt  }
0x67: {  	_ =	shalt  }
0x68: {  	_ =	shalt  }
0x69: {  	_ =	shalt  }
0x6a: {  	_ =	shalt  }
0x6b: {  	_ =	shalt  }
0x6c: {  	_ =	shalt  }
0x6d: {  	_ =	shalt  }
0x6e: {  	_ =	shalt  }
0x6f: {  	_ =	shalt  }
0x70: {  	_ =	shalt  }
0x71: {  	_ =	shalt  }
0x72: {  	_ =	shalt  }
0x73: {  	_ =	shalt  }
0x74: {  	_ =	shalt  }
0x75: {  	_ =	shalt  }
0x76: {  	_ =	shalt  }
0x77: {  	_ =	shalt  }
0x78: {  	_ =	shalt  }
0x79: {  	_ =	shalt  }
0x7a: {  	_ =	shalt  }
0x7b: {  	_ =	shalt  }
0x7c: {  	_ =	shalt  }
0x7d: {  	_ =	shalt  }
0x7e: {  	_ =	shalt  }
0x7f: {  	_ =	shalt  }
0x80: {  	_ =	shalt  }
0x81: {  	_ =	shalt  }
0x82: {  	_ =	shalt  }
0x83: {  	_ =	shalt  }
0x84: {  	_ =	shalt  }
0x85: {  	_ =	shalt  }
0x86: {  	_ =	shalt  }
0x87: {  	_ =	shalt  }
.Lfunc_end0:
.L_simem_size_0:
called_computation_lowered:
.L_overlay_start_0:
0x88: {  	s2 =	sld [smem:$0x3FD9]  }
0x89: {  	s3 =	sld [smem:$0x3FFE];
	_ =	sdelay $0x1  }
0x8a: {  	s1 =	srdreg.scid  }
0x8b: {  	s0 =	sand.u32 $0x1, s1  }
0x8c: {  	s18 =	sshll.u32 s0, $0xA;
	s2 =	sadd.s32 s3, s2  }
0x8d: {  	s2 =	sadd.s32 s2, s18  }
0x8e: {  	[smem:$0x3FC6] =	sst s2  }
0x8f: {  	_ = 	snop  }
0x90: {  	s2 =	sld [smem:$0x3FC9]  }
0x91: {  	s19 =	sld [smem:$0x3FC8]  }
0x92: {  	s4 =	sld [smem:$0x3FD0];
	(tm) =	ssettm $0x1  }
0x93: {  	s5 =	sld [smem:$0x3FFB];
	_ =	sdelay $0x3  }
0x94: {  	_ =	strace s5  }
0x95: {  	s5 =	sld [smem:$0x3FFC];
	_ =	sdelay $0x3  }
0x96: {  	_ =	strace s5  }
0x97: {  	s5 =	sld [smem:$0x3FFD];
	_ =	sdelay $0x3  }
0x98: {  	_ =	strace s5  }
0x99: {  	_ =	strace $0x8FFFFFFF  }
0x9a: {  	s20 =	sld [smem:$0x3FDB];
	_ =	sdelay $0x1  }
0x9b: {  	s6 =	simm.s32 $_scs_section_size  }
0x9c: {  	s7 =	simm.s32 $_size__tile_overlayer_lowered;
	s8 =	simm.s32 $_tile_overlayer_lowered  }
0x9d: {  	s23 =	simm.s32 $0x1BFF;
	s22 =	sshll.u32 s8, $0x1;
	s5 =	sadd.s32 s6, s20  }
0x9e: {  	s9 =	simm.s32 $0x0;
	s21 =	sshll.u32 s7, $0x1;
	s7 =	sadd.s32 s22, s5  }
0x9f: {  	[timem:s9], [sflag:s23] =	dma.local [hbm:s7], s21  }
0xa0: {  	_ =	swait.ge [sflag:s23], s21  }
0xa1: {  	s6 =	ssub.s32 $0x0, s21;
	[sflag:s23] =	ssyncset.done $0x0  }
0xa2: {  	[sflag:s23] =	ssyncadd.s32 s6;
	_ =	sdelay $0x1  }
0xa3: {  	s24 =	simm.s32 $0x1B8B  }
0xa4: {  	_ =	swait.ge [sflag:s24], $0x1  }
0xa5: {  	[sflag:s24] =	ssyncset.done $0x0  }
0xa6: {  	s25 =	simm.s32 $0x1B8E;
	[sflag:s24] =	ssyncadd.s32 $0xFFFFFFFF  }
0xa7: {  	s26 =	simm.s32 $execute0_lowered;
	[smem:$0x3FD2] =	sst s25  }
0xa8: {  	s6 =	sshll.u32 s26, $0x1;
	_ =	strace $0x80000046;
	[dreg:$0x1] =	wrdreg $0xFFFFFFFF  }
0xa9: {  	s28 =	simm.s32 $_size_execute0_lowered;
	s5 =	sadd.s32 s5, s6;
	[dreg:$0x0] =	wrdreg $0x0  }
0xaa: {  	s6 =	sshll.u32 s28, $0x1;
	[dreg:$0x2] =	wrdreg s5  }
0xab: {  	[dreg:$0x3] =	wrdreg s6  }
0xac: {  	[dreg:$0x4] =	wrdreg $0xC0  }
0xad: {  	_ =	task [dreg:s9], $0x5FFFF  }
0xae: {  	[dreg:$0x1] =	wrdreg $0xFFFFFFFF  }
0xaf: {  	[dreg:$0x0] =	wrdreg $0x60  }
0xb0: {  	[dreg:$0x2] =	wrdreg s2  }
0xb1: {  	[dreg:$0x3] =	wrdreg s19  }
0xb2: {  	[dreg:$0x4] =	wrdreg s4  }
0xb3: {  	[dreg:$0x5] =	wrdreg $0x9  }
0xb4: {  	_ =	task.clear_ibuf [dreg:s9], $0x6FFFF;
	_ =	strace $0x90000046  }
0xb5: {  	s29 =	simm.s32 $0x9;
	_ =	strace $0x80000048  }
0xb6: {  	_ =	swait.ge [sflag:s29], $0x1  }
0xb7: {  	[sflag:s29] =	ssyncadd.s32 $0xFFFFFFFF  }
0xb8: {  	_ =	strace $0x90000048  }
0xb9: {  	_ =	sfence  }
0xba: {  	s30 =	sld [smem:$0x0];
	_ =	sdelay $0x2  }
0xbb: {  	s31 =	sshll.u32 s1, $0xD;
	s1 =	sshrl.u32 s1, $0x2  }
0xbc: {  	s3 =	sand.u32 $0x4000, s31;
	s1 =	sadd.s32 s1, s30  }
0xbd: {  	s0 =	sor.u32 s3, s0;
	s1 =	sshll.u32 s1, $0x11  }
0xbe: {  	s0 =	sor.u32 s1, s0  }
0xbf: {  	s0 =	sadd.s32 $0x8F2B, s0  }
0xc0: {  	[sflag:s0] =	ssyncadd.remote.s32 $0x1  }
0xc1: {  	_ =	sfence.sel $0xFFFF  }
0xc2: {  	[dreg:$0x0] =	wrdreg $0xFFFFFFFF;
	(pc) =	sbr.abs _section_cstart, $3  }
0xc3: {  	[dreg:$0x1] =	wrdreg $0xFFFFFFFF  }
0xc4: {  	_ =	task.clear_ibuf [dreg:s9], $0x2FFFF;
	_ =	strace $0x9FFFFFFF  }
0xc5: {  	(tm) =	ssettm $0x7FFFFFFF  }
tec
execute0_lowered:
.L_overlay_start_1:
0x0: {  	(tag) =	ssettag $0x1  }
0x1: {  	s1 =	srdreg.scid;
	s0 =	stileid.u32  }
0x2: {  	s2 =	rddreg [dreg:$0x0];
	s29 =	sand.u32 $0x1, s1;
	s31 =	sshll.u32 s0, $0x1  }
0x3: {  	s26 =	rddreg [dreg:$0x1];
	s9 =	sor.u32 s29, s31  }
0x4: {  	s28 =	rddreg [dreg:$0x2];
	s30 =	smul.u32 $0x140, s9  }
0x5: {  	s3 =	simm.s32 $0x0;
	s1 =	rddreg [dreg:$0x3]  }
0x6: {  	[smem:$0x7FF] =	sst s3;
	s4 =	sshrl.u32 s30, $0x3  }
0x7: {  	_ =	strace $0x80000047;
	s5 =	sadd.s32 s26, s4;
	s4 =	simm.s32 $0x2  }
0x8: {  	[tilespmem:s3], [sflag:$0x2] =	stream.linear.gather [hbm4b:s5+s3], $0x20, $0x38;
	[tilespmem:$0x1080] =	vst v63  }
0x9: {  	_ =	swait.ge [sflag:s4], $0x20  }
0xa: {  	s6 =	simm.s32 $0x20;
	[sflag:s4] =	ssyncset.done $0x0  }
0xb: {  	s7 =	simm.s32 $0x80;
	s8 =	simm.s32 $0x1;
	[sflag:s4] =	ssyncadd.s32 $0xFFFFFFE0  }
0xc: {  	[tilespmem:s7], [sflag:$0x1] =	stream.indirect.gather [hbm4b:s2+s6], $0x80, s3, s6, $0xb8;
	[tilespmem:$0x1080] =	vst v63  }
0xd: {  	s9 =	smul.u32 $0x1400, s9;
	_ =	swait.ge [sflag:s8], $0x1000  }
0xe: {  	[sflag:s8] =	ssyncset.done $0x0  }
0xf: {  	s9 =	sadd.s32 s28, s9;
	[sflag:s8] =	ssyncadd.s32 $0xFFFFF000  }
0x10: {  	[hbm4b:s9+s3] =	stream.linear.scatter [tilespmem:s7], [sflag:$0x2], $0x1000, $0x38;
	[tilespmem:$0x1080] =	vst v63  }
0x11: {  	s11 =	sor.u32 $0x20, s30;
	_ =	swait.ge [sflag:s4], $0x1000  }
0x12: {  	s10 =	sshrl.u32 s11, $0x3;
	[sflag:s4] =	ssyncset.done $0x0  }
0x13: {  	s10 =	sadd.s32 s26, s10;
	[sflag:s4] =	ssyncadd.s32 $0xFFFFF000  }
0x14: {  	[tilespmem:s3], [sflag:$0x2] =	stream.linear.gather [hbm4b:s10+s3], $0x20, $0x38;
	[tilespmem:$0x1080] =	vst v63  }
0x15: {  	_ =	swait.ge [sflag:s4], $0x20  }
0x16: {  	[sflag:s4] =	ssyncset.done $0x0  }
0x17: {  	[sflag:s4] =	ssyncadd.s32 $0xFFFFFFE0  }
0x18: {  	[tilespmem:s7], [sflag:$0x1] =	stream.indirect.gather [hbm4b:s2+s6], $0x80, s3, s6, $0xb8;
	[tilespmem:$0x1080] =	vst v63  }
0x19: {  	_ =	swait.ge [sflag:s8], $0x1000  }
0x1a: {  	s11 =	sshll.u32 s11, $0x4;
	[sflag:s8] =	ssyncset.done $0x0  }
0x1b: {  	s11 =	sadd.s32 s28, s11;
	[sflag:s8] =	ssyncadd.s32 $0xFFFFF000  }
0x1c: {  	[hbm4b:s11+s3] =	stream.linear.scatter [tilespmem:s7], [sflag:$0x2], $0x1000, $0x38;
	[tilespmem:$0x1080] =	vst v63  }
0x1d: {  	s13 =	sadd.s32 $0x40, s30;
	_ =	swait.ge [sflag:s4], $0x1000  }
0x1e: {  	s12 =	sshrl.u32 s13, $0x3;
	[sflag:s4] =	ssyncset.done $0x0  }
0x1f: {  	s12 =	sadd.s32 s26, s12;
	[sflag:s4] =	ssyncadd.s32 $0xFFFFF000  }
0x20: {  	[tilespmem:s3], [sflag:$0x2] =	stream.linear.gather [hbm4b:s12+s3], $0x20, $0x38;
	[tilespmem:$0x1080] =	vst v63  }
0x21: {  	_ =	swait.ge [sflag:s4], $0x20  }
0x22: {  	[sflag:s4] =	ssyncset.done $0x0  }
0x23: {  	[sflag:s4] =	ssyncadd.s32 $0xFFFFFFE0  }
0x24: {  	[tilespmem:s7], [sflag:$0x1] =	stream.indirect.gather [hbm4b:s2+s6], $0x80, s3, s6, $0xb8;
	[tilespmem:$0x1080] =	vst v63  }
0x25: {  	_ =	swait.ge [sflag:s8], $0x1000  }
0x26: {  	s13 =	sshll.u32 s13, $0x4;
	[sflag:s8] =	ssyncset.done $0x0  }
0x27: {  	s13 =	sadd.s32 s28, s13;
	[sflag:s8] =	ssyncadd.s32 $0xFFFFF000  }
0x28: {  	[hbm4b:s13+s3] =	stream.linear.scatter [tilespmem:s7], [sflag:$0x2], $0x1000, $0x38;
	[tilespmem:$0x1080] =	vst v63  }
0x29: {  	s15 =	sadd.s32 $0x60, s30;
	_ =	swait.ge [sflag:s4], $0x1000  }
0x2a: {  	s14 =	sshrl.u32 s15, $0x3;
	[sflag:s4] =	ssyncset.done $0x0  }
0x2b: {  	s14 =	sadd.s32 s26, s14;
	[sflag:s4] =	ssyncadd.s32 $0xFFFFF000  }
0x2c: {  	[tilespmem:s3], [sflag:$0x2] =	stream.linear.gather [hbm4b:s14+s3], $0x20, $0x38;
	[tilespmem:$0x1080] =	vst v63  }
0x2d: {  	_ =	swait.ge [sflag:s4], $0x20  }
0x2e: {  	[sflag:s4] =	ssyncset.done $0x0  }
0x2f: {  	[sflag:s4] =	ssyncadd.s32 $0xFFFFFFE0  }
0x30: {  	[tilespmem:s7], [sflag:$0x1] =	stream.indirect.gather [hbm4b:s2+s6], $0x80, s3, s6, $0xb8;
	[tilespmem:$0x1080] =	vst v63  }
0x31: {  	_ =	swait.ge [sflag:s8], $0x1000  }
0x32: {  	s15 =	sshll.u32 s15, $0x4;
	[sflag:s8] =	ssyncset.done $0x0  }
0x33: {  	s15 =	sadd.s32 s28, s15;
	[sflag:s8] =	ssyncadd.s32 $0xFFFFF000  }
0x34: {  	[hbm4b:s15+s3] =	stream.linear.scatter [tilespmem:s7], [sflag:$0x2], $0x1000, $0x38;
	[tilespmem:$0x1080] =	vst v63  }
0x35: {  	s17 =	sadd.s32 $0x80, s30;
	_ =	swait.ge [sflag:s4], $0x1000  }
0x36: {  	s16 =	sshrl.u32 s17, $0x3;
	[sflag:s4] =	ssyncset.done $0x0  }
0x37: {  	s16 =	sadd.s32 s26, s16;
	[sflag:s4] =	ssyncadd.s32 $0xFFFFF000  }
0x38: {  	[tilespmem:s3], [sflag:$0x2] =	stream.linear.gather [hbm4b:s16+s3], $0x20, $0x38;
	[tilespmem:$0x1080] =	vst v63  }
0x39: {  	_ =	swait.ge [sflag:s4], $0x20  }
0x3a: {  	[sflag:s4] =	ssyncset.done $0x0  }
0x3b: {  	[sflag:s4] =	ssyncadd.s32 $0xFFFFFFE0  }
0x3c: {  	[tilespmem:s7], [sflag:$0x1] =	stream.indirect.gather [hbm4b:s2+s6], $0x80, s3, s6, $0xb8;
	[tilespmem:$0x1080] =	vst v63  }
0x3d: {  	_ =	swait.ge [sflag:s8], $0x1000  }
0x3e: {  	s17 =	sshll.u32 s17, $0x4;
	[sflag:s8] =	ssyncset.done $0x0  }
0x3f: {  	s17 =	sadd.s32 s28, s17;
	[sflag:s8] =	ssyncadd.s32 $0xFFFFF000  }
0x40: {  	[hbm4b:s17+s3] =	stream.linear.scatter [tilespmem:s7], [sflag:$0x2], $0x1000, $0x38;
	[tilespmem:$0x1080] =	vst v63  }
0x41: {  	s19 =	sadd.s32 $0xA0, s30;
	_ =	swait.ge [sflag:s4], $0x1000  }
0x42: {  	s18 =	sshrl.u32 s19, $0x3;
	[sflag:s4] =	ssyncset.done $0x0  }
0x43: {  	s18 =	sadd.s32 s26, s18;
	[sflag:s4] =	ssyncadd.s32 $0xFFFFF000  }
0x44: {  	[tilespmem:s3], [sflag:$0x2] =	stream.linear.gather [hbm4b:s18+s3], $0x20, $0x38;
	[tilespmem:$0x1080] =	vst v63  }
0x45: {  	_ =	swait.ge [sflag:s4], $0x20  }
0x46: {  	[sflag:s4] =	ssyncset.done $0x0  }
0x47: {  	[sflag:s4] =	ssyncadd.s32 $0xFFFFFFE0  }
0x48: {  	[tilespmem:s7], [sflag:$0x1] =	stream.indirect.gather [hbm4b:s2+s6], $0x80, s3, s6, $0xb8;
	[tilespmem:$0x1080] =	vst v63  }
0x49: {  	_ =	swait.ge [sflag:s8], $0x1000  }
0x4a: {  	s19 =	sshll.u32 s19, $0x4;
	[sflag:s8] =	ssyncset.done $0x0  }
0x4b: {  	s19 =	sadd.s32 s28, s19;
	[sflag:s8] =	ssyncadd.s32 $0xFFFFF000  }
0x4c: {  	[hbm4b:s19+s3] =	stream.linear.scatter [tilespmem:s7], [sflag:$0x2], $0x1000, $0x38;
	[tilespmem:$0x1080] =	vst v63  }
0x4d: {  	s21 =	sadd.s32 $0xC0, s30;
	_ =	swait.ge [sflag:s4], $0x1000  }
0x4e: {  	s20 =	sshrl.u32 s21, $0x3;
	[sflag:s4] =	ssyncset.done $0x0  }
0x4f: {  	s20 =	sadd.s32 s26, s20;
	[sflag:s4] =	ssyncadd.s32 $0xFFFFF000  }
0x50: {  	[tilespmem:s3], [sflag:$0x2] =	stream.linear.gather [hbm4b:s20+s3], $0x20, $0x38;
	[tilespmem:$0x1080] =	vst v63  }
0x51: {  	_ =	swait.ge [sflag:s4], $0x20  }
0x52: {  	[sflag:s4] =	ssyncset.done $0x0  }
0x53: {  	[sflag:s4] =	ssyncadd.s32 $0xFFFFFFE0  }
0x54: {  	[tilespmem:s7], [sflag:$0x1] =	stream.indirect.gather [hbm4b:s2+s6], $0x80, s3, s6, $0xb8;
	[tilespmem:$0x1080] =	vst v63  }
0x55: {  	_ =	swait.ge [sflag:s8], $0x1000  }
0x56: {  	s21 =	sshll.u32 s21, $0x4;
	[sflag:s8] =	ssyncset.done $0x0  }
0x57: {  	s21 =	sadd.s32 s28, s21;
	[sflag:s8] =	ssyncadd.s32 $0xFFFFF000  }
0x58: {  	[hbm4b:s21+s3] =	stream.linear.scatter [tilespmem:s7], [sflag:$0x2], $0x1000, $0x38;
	[tilespmem:$0x1080] =	vst v63  }
0x59: {  	s23 =	sadd.s32 $0xE0, s30;
	_ =	swait.ge [sflag:s4], $0x1000  }
0x5a: {  	s22 =	sshrl.u32 s23, $0x3;
	[sflag:s4] =	ssyncset.done $0x0  }
0x5b: {  	s22 =	sadd.s32 s26, s22;
	[sflag:s4] =	ssyncadd.s32 $0xFFFFF000  }
0x5c: {  	[tilespmem:s3], [sflag:$0x2] =	stream.linear.gather [hbm4b:s22+s3], $0x20, $0x38;
	[tilespmem:$0x1080] =	vst v63  }
0x5d: {  	_ =	swait.ge [sflag:s4], $0x20  }
0x5e: {  	[sflag:s4] =	ssyncset.done $0x0  }
0x5f: {  	[sflag:s4] =	ssyncadd.s32 $0xFFFFFFE0  }
0x60: {  	[tilespmem:s7], [sflag:$0x1] =	stream.indirect.gather [hbm4b:s2+s6], $0x80, s3, s6, $0xb8;
	[tilespmem:$0x1080] =	vst v63  }
0x61: {  	_ =	swait.ge [sflag:s8], $0x1000  }
0x62: {  	s23 =	sshll.u32 s23, $0x4;
	[sflag:s8] =	ssyncset.done $0x0  }
0x63: {  	s23 =	sadd.s32 s28, s23;
	[sflag:s8] =	ssyncadd.s32 $0xFFFFF000  }
0x64: {  	[hbm4b:s23+s3] =	stream.linear.scatter [tilespmem:s7], [sflag:$0x2], $0x1000, $0x38;
	[tilespmem:$0x1080] =	vst v63  }
0x65: {  	s25 =	sadd.s32 $0x100, s30;
	_ =	swait.ge [sflag:s4], $0x1000  }
0x66: {  	s24 =	sshrl.u32 s25, $0x3;
	[sflag:s4] =	ssyncset.done $0x0  }
0x67: {  	s24 =	sadd.s32 s26, s24;
	[sflag:s4] =	ssyncadd.s32 $0xFFFFF000  }
0x68: {  	[tilespmem:s3], [sflag:$0x2] =	stream.linear.gather [hbm4b:s24+s3], $0x20, $0x38;
	[tilespmem:$0x1080] =	vst v63  }
0x69: {  	_ =	swait.ge [sflag:s4], $0x20  }
0x6a: {  	[sflag:s4] =	ssyncset.done $0x0  }
0x6b: {  	[sflag:s4] =	ssyncadd.s32 $0xFFFFFFE0  }
0x6c: {  	[tilespmem:s7], [sflag:$0x1] =	stream.indirect.gather [hbm4b:s2+s6], $0x80, s3, s6, $0xb8;
	[tilespmem:$0x1080] =	vst v63  }
0x6d: {  	_ =	swait.ge [sflag:s8], $0x1000  }
0x6e: {  	s25 =	sshll.u32 s25, $0x4;
	[sflag:s8] =	ssyncset.done $0x0  }
0x6f: {  	s25 =	sadd.s32 s28, s25;
	[sflag:s8] =	ssyncadd.s32 $0xFFFFF000  }
0x70: {  	[hbm4b:s25+s3] =	stream.linear.scatter [tilespmem:s7], [sflag:$0x2], $0x1000, $0x38;
	[tilespmem:$0x1080] =	vst v63  }
0x71: {  	s30 =	sadd.s32 $0x120, s30;
	_ =	swait.ge [sflag:s4], $0x1000  }
0x72: {  	s31 =	sshrl.u32 s30, $0x3;
	[sflag:s4] =	ssyncset.done $0x0  }
0x73: {  	s29 =	ssub.s32 $0x2, s29;
	s26 =	sadd.s32 s26, s31;
	[sflag:s4] =	ssyncadd.s32 $0xFFFFF000  }
0x74: {  	[tilespmem:s3], [sflag:$0x2] =	stream.linear.gather [hbm4b:s26+s3], $0x20, $0x38;
	[tilespmem:$0x1080] =	vst v63  }
0x75: {  	s31 =	sshrl.u32 s29, $0x1;
	_ =	swait.ge [sflag:s4], $0x20  }
0x76: {  	s29 =	ssub.s32 s29, s31;
	[sflag:s4] =	ssyncset.done $0x0  }
0x77: {  	s29 =	smax.u32 s29, $0x1;
	[sflag:s4] =	ssyncadd.s32 $0xFFFFFFE0  }
0x78: {  	[tilespmem:s7], [sflag:$0x1] =	stream.indirect.gather [hbm4b:s2+s6], $0x80, s3, s6, $0xb8;
	[tilespmem:$0x1080] =	vst v63  }
0x79: {  	p0 =	sne.s32 s29, $0x1;
	_ =	swait.ge [sflag:s8], $0x1000  }
.Ltmp0:
0x7a: {  	s30 =	sshll.u32 s30, $0x4;
	[sflag:s8] =	ssyncset.done $0x0;
	(pc) =	sbr.rel @!p0 .LBB2_2-.Ltmp0, $4  }
0x7b: {  	s28 =	sadd.s32 s28, s30;
	[sflag:s8] =	ssyncadd.s32 $0xFFFFF000  }
0x7c: {  	[hbm4b:s28+s3] =	stream.linear.scatter [tilespmem:s7], [sflag:$0x2], $0x1000, $0x38;
	[tilespmem:$0x1080] =	vst v63  }
0x7d: {  	_ =	swait.ge [sflag:s4], $0x1000  }
0x7e: {  	s29 =	sadd.s32 $0xFFFFFFFF, s29;
	[sflag:s4] =	ssyncset.done $0x0  }
.LBB2_1:
0x7f: {  	p0 =	sne.s32 s29, $0x1;
	s29 =	sadd.s32 $0xFFFFFFFF, s29;
	[sflag:s4] =	ssyncadd.s32 $0xFFFFF000  }
0x80: {  	[tilespmem:s3], [sflag:$0x2] =	stream.linear.gather [hbm4b:s5+s3], $0x20, $0x38;
	[tilespmem:$0x1080] =	vst v63  }
0x81: {  	_ =	swait.ge [sflag:s4], $0x20  }
0x82: {  	[sflag:s4] =	ssyncset.done $0x0  }
0x83: {  	[sflag:s4] =	ssyncadd.s32 $0xFFFFFFE0  }
0x84: {  	[tilespmem:s7], [sflag:$0x1] =	stream.indirect.gather [hbm4b:s2+s6], $0x80, s3, s6, $0xb8;
	[tilespmem:$0x1080] =	vst v63  }
0x85: {  	_ =	swait.ge [sflag:s8], $0x1000  }
0x86: {  	[sflag:s8] =	ssyncset.done $0x0  }
0x87: {  	[sflag:s8] =	ssyncadd.s32 $0xFFFFF000  }
0x88: {  	[hbm4b:s9+s3] =	stream.linear.scatter [tilespmem:s7], [sflag:$0x2], $0x1000, $0x38;
	[tilespmem:$0x1080] =	vst v63  }
0x89: {  	_ =	swait.ge [sflag:s4], $0x1000  }
0x8a: {  	[sflag:s4] =	ssyncset.done $0x0  }
0x8b: {  	[sflag:s4] =	ssyncadd.s32 $0xFFFFF000  }
0x8c: {  	[tilespmem:s3], [sflag:$0x2] =	stream.linear.gather [hbm4b:s10+s3], $0x20, $0x38;
	[tilespmem:$0x1080] =	vst v63  }
0x8d: {  	_ =	swait.ge [sflag:s4], $0x20  }
0x8e: {  	[sflag:s4] =	ssyncset.done $0x0  }
0x8f: {  	[sflag:s4] =	ssyncadd.s32 $0xFFFFFFE0  }
0x90: {  	[tilespmem:s7], [sflag:$0x1] =	stream.indirect.gather [hbm4b:s2+s6], $0x80, s3, s6, $0xb8;
	[tilespmem:$0x1080] =	vst v63  }
0x91: {  	_ =	swait.ge [sflag:s8], $0x1000  }
0x92: {  	[sflag:s8] =	ssyncset.done $0x0  }
0x93: {  	[sflag:s8] =	ssyncadd.s32 $0xFFFFF000  }
0x94: {  	[hbm4b:s11+s3] =	stream.linear.scatter [tilespmem:s7], [sflag:$0x2], $0x1000, $0x38;
	[tilespmem:$0x1080] =	vst v63  }
0x95: {  	_ =	swait.ge [sflag:s4], $0x1000  }
0x96: {  	[sflag:s4] =	ssyncset.done $0x0  }
0x97: {  	[sflag:s4] =	ssyncadd.s32 $0xFFFFF000  }
0x98: {  	[tilespmem:s3], [sflag:$0x2] =	stream.linear.gather [hbm4b:s12+s3], $0x20, $0x38;
	[tilespmem:$0x1080] =	vst v63  }
0x99: {  	_ =	swait.ge [sflag:s4], $0x20  }
0x9a: {  	[sflag:s4] =	ssyncset.done $0x0  }
0x9b: {  	[sflag:s4] =	ssyncadd.s32 $0xFFFFFFE0  }
0x9c: {  	[tilespmem:s7], [sflag:$0x1] =	stream.indirect.gather [hbm4b:s2+s6], $0x80, s3, s6, $0xb8;
	[tilespmem:$0x1080] =	vst v63  }
0x9d: {  	_ =	swait.ge [sflag:s8], $0x1000  }
0x9e: {  	[sflag:s8] =	ssyncset.done $0x0  }
0x9f: {  	[sflag:s8] =	ssyncadd.s32 $0xFFFFF000  }
0xa0: {  	[hbm4b:s13+s3] =	stream.linear.scatter [tilespmem:s7], [sflag:$0x2], $0x1000, $0x38;
	[tilespmem:$0x1080] =	vst v63  }
0xa1: {  	_ =	swait.ge [sflag:s4], $0x1000  }
0xa2: {  	[sflag:s4] =	ssyncset.done $0x0  }
0xa3: {  	[sflag:s4] =	ssyncadd.s32 $0xFFFFF000  }
0xa4: {  	[tilespmem:s3], [sflag:$0x2] =	stream.linear.gather [hbm4b:s14+s3], $0x20, $0x38;
	[tilespmem:$0x1080] =	vst v63  }
0xa5: {  	_ =	swait.ge [sflag:s4], $0x20  }
0xa6: {  	[sflag:s4] =	ssyncset.done $0x0  }
0xa7: {  	[sflag:s4] =	ssyncadd.s32 $0xFFFFFFE0  }
0xa8: {  	[tilespmem:s7], [sflag:$0x1] =	stream.indirect.gather [hbm4b:s2+s6], $0x80, s3, s6, $0xb8;
	[tilespmem:$0x1080] =	vst v63  }
0xa9: {  	_ =	swait.ge [sflag:s8], $0x1000  }
0xaa: {  	[sflag:s8] =	ssyncset.done $0x0  }
0xab: {  	[sflag:s8] =	ssyncadd.s32 $0xFFFFF000  }
0xac: {  	[hbm4b:s15+s3] =	stream.linear.scatter [tilespmem:s7], [sflag:$0x2], $0x1000, $0x38;
	[tilespmem:$0x1080] =	vst v63  }
0xad: {  	_ =	swait.ge [sflag:s4], $0x1000  }
0xae: {  	[sflag:s4] =	ssyncset.done $0x0  }
0xaf: {  	[sflag:s4] =	ssyncadd.s32 $0xFFFFF000  }
0xb0: {  	[tilespmem:s3], [sflag:$0x2] =	stream.linear.gather [hbm4b:s16+s3], $0x20, $0x38;
	[tilespmem:$0x1080] =	vst v63  }
0xb1: {  	_ =	swait.ge [sflag:s4], $0x20  }
0xb2: {  	[sflag:s4] =	ssyncset.done $0x0  }
0xb3: {  	[sflag:s4] =	ssyncadd.s32 $0xFFFFFFE0  }
0xb4: {  	[tilespmem:s7], [sflag:$0x1] =	stream.indirect.gather [hbm4b:s2+s6], $0x80, s3, s6, $0xb8;
	[tilespmem:$0x1080] =	vst v63  }
0xb5: {  	_ =	swait.ge [sflag:s8], $0x1000  }
0xb6: {  	[sflag:s8] =	ssyncset.done $0x0  }
0xb7: {  	[sflag:s8] =	ssyncadd.s32 $0xFFFFF000  }
0xb8: {  	[hbm4b:s17+s3] =	stream.linear.scatter [tilespmem:s7], [sflag:$0x2], $0x1000, $0x38;
	[tilespmem:$0x1080] =	vst v63  }
0xb9: {  	_ =	swait.ge [sflag:s4], $0x1000  }
0xba: {  	[sflag:s4] =	ssyncset.done $0x0  }
0xbb: {  	[sflag:s4] =	ssyncadd.s32 $0xFFFFF000  }
0xbc: {  	[tilespmem:s3], [sflag:$0x2] =	stream.linear.gather [hbm4b:s18+s3], $0x20, $0x38;
	[tilespmem:$0x1080] =	vst v63  }
0xbd: {  	_ =	swait.ge [sflag:s4], $0x20  }
0xbe: {  	[sflag:s4] =	ssyncset.done $0x0  }
0xbf: {  	[sflag:s4] =	ssyncadd.s32 $0xFFFFFFE0  }
0xc0: {  	[tilespmem:s7], [sflag:$0x1] =	stream.indirect.gather [hbm4b:s2+s6], $0x80, s3, s6, $0xb8;
	[tilespmem:$0x1080] =	vst v63  }
0xc1: {  	_ =	swait.ge [sflag:s8], $0x1000  }
0xc2: {  	[sflag:s8] =	ssyncset.done $0x0  }
0xc3: {  	[sflag:s8] =	ssyncadd.s32 $0xFFFFF000  }
0xc4: {  	[hbm4b:s19+s3] =	stream.linear.scatter [tilespmem:s7], [sflag:$0x2], $0x1000, $0x38;
	[tilespmem:$0x1080] =	vst v63  }
0xc5: {  	_ =	swait.ge [sflag:s4], $0x1000  }
0xc6: {  	[sflag:s4] =	ssyncset.done $0x0  }
0xc7: {  	[sflag:s4] =	ssyncadd.s32 $0xFFFFF000  }
0xc8: {  	[tilespmem:s3], [sflag:$0x2] =	stream.linear.gather [hbm4b:s20+s3], $0x20, $0x38;
	[tilespmem:$0x1080] =	vst v63  }
0xc9: {  	_ =	swait.ge [sflag:s4], $0x20  }
0xca: {  	[sflag:s4] =	ssyncset.done $0x0  }
0xcb: {  	[sflag:s4] =	ssyncadd.s32 $0xFFFFFFE0  }
0xcc: {  	[tilespmem:s7], [sflag:$0x1] =	stream.indirect.gather [hbm4b:s2+s6], $0x80, s3, s6, $0xb8;
	[tilespmem:$0x1080] =	vst v63  }
0xcd: {  	_ =	swait.ge [sflag:s8], $0x1000  }
0xce: {  	[sflag:s8] =	ssyncset.done $0x0  }
0xcf: {  	[sflag:s8] =	ssyncadd.s32 $0xFFFFF000  }
0xd0: {  	[hbm4b:s21+s3] =	stream.linear.scatter [tilespmem:s7], [sflag:$0x2], $0x1000, $0x38;
	[tilespmem:$0x1080] =	vst v63  }
0xd1: {  	_ =	swait.ge [sflag:s4], $0x1000  }
0xd2: {  	[sflag:s4] =	ssyncset.done $0x0  }
0xd3: {  	[sflag:s4] =	ssyncadd.s32 $0xFFFFF000  }
0xd4: {  	[tilespmem:s3], [sflag:$0x2] =	stream.linear.gather [hbm4b:s22+s3], $0x20, $0x38;
	[tilespmem:$0x1080] =	vst v63  }
0xd5: {  	_ =	swait.ge [sflag:s4], $0x20  }
0xd6: {  	[sflag:s4] =	ssyncset.done $0x0  }
0xd7: {  	[sflag:s4] =	ssyncadd.s32 $0xFFFFFFE0  }
0xd8: {  	[tilespmem:s7], [sflag:$0x1] =	stream.indirect.gather [hbm4b:s2+s6], $0x80, s3, s6, $0xb8;
	[tilespmem:$0x1080] =	vst v63  }
0xd9: {  	_ =	swait.ge [sflag:s8], $0x1000  }
0xda: {  	[sflag:s8] =	ssyncset.done $0x0  }
0xdb: {  	[sflag:s8] =	ssyncadd.s32 $0xFFFFF000  }
0xdc: {  	[hbm4b:s23+s3] =	stream.linear.scatter [tilespmem:s7], [sflag:$0x2], $0x1000, $0x38;
	[tilespmem:$0x1080] =	vst v63  }
0xdd: {  	_ =	swait.ge [sflag:s4], $0x1000  }
0xde: {  	[sflag:s4] =	ssyncset.done $0x0  }
0xdf: {  	[sflag:s4] =	ssyncadd.s32 $0xFFFFF000  }
0xe0: {  	[tilespmem:s3], [sflag:$0x2] =	stream.linear.gather [hbm4b:s24+s3], $0x20, $0x38;
	[tilespmem:$0x1080] =	vst v63  }
0xe1: {  	_ =	swait.ge [sflag:s4], $0x20  }
0xe2: {  	[sflag:s4] =	ssyncset.done $0x0  }
0xe3: {  	[sflag:s4] =	ssyncadd.s32 $0xFFFFFFE0  }
0xe4: {  	[tilespmem:s7], [sflag:$0x1] =	stream.indirect.gather [hbm4b:s2+s6], $0x80, s3, s6, $0xb8;
	[tilespmem:$0x1080] =	vst v63  }
0xe5: {  	_ =	swait.ge [sflag:s8], $0x1000  }
0xe6: {  	[sflag:s8] =	ssyncset.done $0x0  }
0xe7: {  	[sflag:s8] =	ssyncadd.s32 $0xFFFFF000  }
0xe8: {  	[hbm4b:s25+s3] =	stream.linear.scatter [tilespmem:s7], [sflag:$0x2], $0x1000, $0x38;
	[tilespmem:$0x1080] =	vst v63  }
0xe9: {  	_ =	swait.ge [sflag:s4], $0x1000  }
0xea: {  	[sflag:s4] =	ssyncset.done $0x0  }
0xeb: {  	[sflag:s4] =	ssyncadd.s32 $0xFFFFF000  }
0xec: {  	[tilespmem:s3], [sflag:$0x2] =	stream.linear.gather [hbm4b:s26+s3], $0x20, $0x38;
	[tilespmem:$0x1080] =	vst v63  }
0xed: {  	_ =	swait.ge [sflag:s4], $0x20  }
0xee: {  	[sflag:s4] =	ssyncset.done $0x0  }
0xef: {  	[sflag:s4] =	ssyncadd.s32 $0xFFFFFFE0  }
0xf0: {  	[tilespmem:s7], [sflag:$0x1] =	stream.indirect.gather [hbm4b:s2+s6], $0x80, s3, s6, $0xb8;
	[tilespmem:$0x1080] =	vst v63  }
0xf1: {  	_ =	swait.ge [sflag:s8], $0x1000  }
.Ltmp1:
0xf2: {  	[sflag:s8] =	ssyncset.done $0x0;
	(pc) =	sbr.rel @p0 .LBB2_1-.Ltmp1, $4  }
0xf3: {  	[sflag:s8] =	ssyncadd.s32 $0xFFFFF000  }
0xf4: {  	[hbm4b:s28+s3] =	stream.linear.scatter [tilespmem:s7], [sflag:$0x2], $0x1000, $0x38;
	[tilespmem:$0x1080] =	vst v63  }
0xf5: {  	_ =	swait.ge [sflag:s4], $0x1000  }
0xf6: {  	[sflag:s4] =	ssyncset.done $0x0  }
.LBB2_2:
0xf7: {  	[sflag:s4] =	ssyncadd.s32 $0xFFFFF000  }
0xf8: {  	_ =	sfence.sel $0x180000  }
0xf9: {  	[bflag:$0x0] =	sbarrier.arrive $0xFFFF  }
0xfa: {  	p0 =	sne.s32 s0, $0x0;
	_ =	strace $0x90000047  }
0xfb: {  	s0 =	sadd.s32 @!p0 $0x100000, s1;
	[bflag:$0x2] =	sbarrier.arrive $0xFFFF  }
0xfc: {  	[sflag:s0] =	ssyncadd.tile.s32 @!p0 $0x1;
	_ =	shalt  }
.Lfunc_end2:
_tile_overlayer_lowered:
.L_overlay_start_2:
0xfd: {  	(tag) =	ssettag $0x2  }
0xfe: {  	s0 =	rddreg [dreg:$0x0];
	s2 =	stileid.u32  }
0xff: {  	s1 =	rddreg [dreg:$0x1];
	p0 =	sne.s32 s2, $0x0  }
0x100: {  	s3 =	rddreg [dreg:$0x2];
	[bflag:$0x3] =	sbarrier.arrive $0xFFFF;
	s2 =	simm.s32 @!p0 $0x1C02  }
0x101: {  	[timem:s3], [sflag:s2] =	dma.local @!p0 [hbm:s0], s1  }
0x102: {  	s0 =	simm.s32 @!p0 $0x2  }
0x103: {  	_ =	swait.ge @!p0 [sflag:s0], s1  }
0x104: {  	s1 =	ssub.s32 @!p0 $0x0, s1;
	[sflag:s0] =	ssyncset.done @!p0 $0x0  }
0x105: {  	[sflag:s0] =	ssyncadd.s32 @!p0 s1  }
0x106: {  	[bflag:$0x3] =	sbarrier.arrive $0xFFFF  }
0x107: {  	_ =	shalt  }

</sc_bundles>
